<compile_context>
chip_gen: v7x
topology: tpu7x:2x2x1
jax: 0.10.2.dev20260603
libtpu: 0.0.44.dev20260713+nightly
codegen_flags: <defaults>
</compile_context>

<pallas_src>
import functools

import jax
import jax.numpy as jnp
from jax import lax
from jax.experimental import pallas as pl
from jax.experimental.pallas import tpu as pltpu
from jax.experimental.pallas import tpu_sc as plsc

_N_E = 1024
_E_DIM = 64
_BETA = 0.25
_N_ROWS = 32 * 32 * 32
_BM = 2048

_NC = 2
_NS = 16
_NW = _NC * _NS
_ROWS_PER_W = _N_ROWS // _NW
_CHUNK = 64
_NCHUNK = _ROWS_PER_W // _CHUNK
_GROUP = 256
_NGROUP = _ROWS_PER_W // _GROUP
_CPG = _GROUP // _CHUNK
_PAD_DIM = 128
_REPL = 8


def _vq_body(z_ref, emb_ref, lane_ref, oh_ref, idx_ref, loss_ref):
    i = pl.program_id(0)
    z = z_ref[...]
    emb = emb_ref[...]
    z2 = jnp.sum(z * z, axis=1, keepdims=True)
    e2 = jnp.sum(emb * emb, axis=1)
    s = lax.dot_general(z, emb, (((1,), (1,)), ((), ())),
                        preferred_element_type=jnp.float32)
    d = (z2 + e2[None, :]) - 2.0 * s
    dmin = jnp.min(d, axis=1, keepdims=True)
    lane = lane_ref[...]
    idx_f = jnp.min(jnp.where(d == dmin, lane, float(_N_E)), axis=1,
                    keepdims=True)
    oh_ref[...] = (lane == idx_f).astype(jnp.float32)
    idx_ref[...] = idx_f.astype(jnp.int32)
    part = jnp.sum(dmin).reshape(1, 1)

    @pl.when(i == 0)
    def _():
        loss_ref[...] = jnp.zeros((1, 1), jnp.float32)

    loss_ref[...] += part


@functools.partial(
    pl.kernel,
    out_type=jax.ShapeDtypeStruct((_N_ROWS, _PAD_DIM), jnp.float32),
    scratch_types=[
        pltpu.VMEM((_NCHUNK, _CHUNK), jnp.int32),
        pltpu.VMEM((_GROUP, _PAD_DIM), jnp.float32),
        pltpu.VMEM((_GROUP, _PAD_DIM), jnp.float32),
        pltpu.SemaphoreType.DMA,
        pltpu.SemaphoreType.DMA,
        pltpu.SemaphoreType.DMA,
        pltpu.SemaphoreType.DMA,
    ],
    mesh=plsc.VectorSubcoreMesh(core_axis_name="c", subcore_axis_name="s"),
)
def _gather_rows(emb_hbm, idx_hbm, out_hbm, idx_v, rows0, rows1,
                 sg0, sg1, so0, so1):
    wid = lax.axis_index("s") * _NC + lax.axis_index("c")
    base = wid * _ROWS_PER_W
    pltpu.sync_copy(idx_hbm.at[pl.ds(wid * _NCHUNK, _NCHUNK)], idx_v)
    rows = (rows0, rows1)
    sg = (sg0, sg1)
    so = (so0, so1)

    def fire(g):
        b = g & 1
        return [
            pltpu.async_copy(emb_hbm.at[idx_v.at[g * _CPG + j]],
                             rows[b].at[pl.ds(j * _CHUNK, _CHUNK)], sg[b])
            for j in range(_CPG)
        ]

    gathers = fire(0)
    outs = [None, None]
    for g in range(_NGROUP):
        b = g & 1
        if g + 1 < _NGROUP:
            nb = (g + 1) & 1
            if outs[nb] is not None:
                outs[nb].wait()
            nxt = fire(g + 1)
        for c in gathers:
            c.wait()
        outs[b] = pltpu.async_copy(
            rows[b], out_hbm.at[pl.ds(base + g * _GROUP, _GROUP)], so[b])
        if g + 1 < _NGROUP:
            gathers = nxt
    for o in outs:
        o.wait()


def kernel(z, emb):
    zp = jnp.transpose(z, (0, 2, 3, 1))
    z_flat = zp.reshape(-1, _E_DIM)
    grid = _N_ROWS // _BM
    oh, idx, loss_sum = pl.pallas_call(
        _vq_body,
        grid=(grid,),
        in_specs=[
            pl.BlockSpec((_BM, _E_DIM), lambda i: (i, 0)),
            pl.BlockSpec((_N_E, _E_DIM), lambda i: (0, 0)),
            pl.BlockSpec((1, _N_E), lambda i: (0, 0)),
        ],
        out_specs=[
            pl.BlockSpec((_BM, _N_E), lambda i: (i, 0)),
            pl.BlockSpec((_BM, 1), lambda i: (i, 0)),
            pl.BlockSpec((1, 1), lambda i: (0, 0)),
        ],
        out_shape=[
            jax.ShapeDtypeStruct((_N_ROWS, _N_E), jnp.float32),
            jax.ShapeDtypeStruct((_N_ROWS, 1), jnp.int32),
            jax.ShapeDtypeStruct((1, 1), jnp.float32),
        ],
    )(z_flat, emb, lax.iota(jnp.float32, _N_E).reshape(1, _N_E))
    emb_pad = jnp.pad(emb, ((0, 0), (0, _PAD_DIM - _E_DIM)))
    emb_repl = jnp.tile(emb_pad, (_REPL, 1))
    idx_grid = idx.reshape(_NW * _NCHUNK, _CHUNK)
    repl_off = (jnp.arange(_NW * _NCHUNK, dtype=jnp.int32) % _REPL) * _N_E
    zq_pad = _gather_rows(emb_repl, idx_grid + repl_off[:, None])
    zq_flat = zq_pad[:, :_E_DIM]
    loss = (1.0 + _BETA) * loss_sum[0, 0] / (_N_ROWS * _E_DIM)
    z_q = jnp.transpose(zq_flat.reshape(zp.shape), (0, 3, 1, 2))
    return (loss, z_q, oh, idx)

# --- scband reference (transcript-rebuilt; emitter-appended) ---
"""Pipeline reference for scband-vector-quantizer-58557584113934 (READ-ONLY COPY).

The authoritative reference and input builder live on the scoring server;
editing this copy changes nothing except your own understanding.
"""

import jax, jax.numpy as jnp
import numpy as np

N_E = 1024
E_DIM = 64
BETA = 0.25


def setup_inputs(seed: int = 0) -> dict:
    key = jax.random.key(seed)
    k1, k2 = jax.random.split(key)
    z = jax.random.normal(k1, (32, 64, 32, 32), dtype=jnp.float32)
    emb = jax.random.uniform(k2, (N_E, E_DIM), dtype=jnp.float32,
                             minval=-1.0 / N_E, maxval=1.0 / N_E)
    return {"z": z, "emb": emb}


def reference(z, emb):
    # z: [B, e_dim, H, W] -> [B, H, W, e_dim]
    zp = jnp.transpose(z, (0, 2, 3, 1))
    z_flat = zp.reshape(-1, E_DIM)
    # squared euclidean distance to every codebook entry
    d = (jnp.sum(z_flat ** 2, axis=1, keepdims=True)
         + jnp.sum(emb ** 2, axis=1)
         - 2.0 * jnp.matmul(z_flat, emb.T))
    min_encoding_indices = jnp.argmin(d, axis=1)[:, None]
    min_encodings = jax.nn.one_hot(min_encoding_indices[:, 0], N_E, dtype=z.dtype)
    z_q = jnp.matmul(min_encodings, emb).reshape(zp.shape)
    sg = jax.lax.stop_gradient
    loss = jnp.mean((sg(zp) - z_q) ** 2) + BETA * jnp.mean((zp - sg(z_q)) ** 2)
    z_q = zp + sg(z_q - zp)  # straight-through estimator
    z_q = jnp.transpose(z_q, (0, 3, 1, 2))
    return (loss, z_q, min_encodings, min_encoding_indices)

if __name__ == "__main__":
    import jax
    _d = setup_inputs()
    print(jax.jit(kernel)(*tuple(_d.values())))

</pallas_src>

<mosaic_0001>
#map = affine_map<(d0, d1) -> (0, 0)>
module attributes {stable_mosaic.version = 14 : i64} {
  func.func @_gather_rows(%arg0: i32, %arg1: i32, %arg2: memref<8192x128xf32, #tpu.memory_space<hbm>>, %arg3: memref<512x64xi32, #tpu.memory_space<hbm>>, %arg4: memref<32768x128xf32, #tpu.memory_space<hbm>>, %arg5: memref<16x64xi32, #tpu.memory_space<vmem>>, %arg6: memref<256x128xf32, #tpu.memory_space<vmem>>, %arg7: memref<256x128xf32, #tpu.memory_space<vmem>>, %arg8: memref<!tpu.dma_semaphore, #tpu.memory_space<semaphore_mem>>, %arg9: memref<!tpu.dma_semaphore, #tpu.memory_space<semaphore_mem>>, %arg10: memref<!tpu.dma_semaphore, #tpu.memory_space<semaphore_mem>>, %arg11: memref<!tpu.dma_semaphore, #tpu.memory_space<semaphore_mem>>) attributes {dimension_semantics = [#tpu.dimension_semantics<core_parallel>, #tpu.dimension_semantics<subcore_parallel>], iteration_bounds = array<i64: 2, 16>, scalar_prefetch = 0 : i64, scratch_operands = 7 : i64, tpu.core_type = #tpu.core_type<sc_vector_subcore>, window_params = [{transform_indices = #map}, {transform_indices = #map}, {transform_indices = #map}]} {
    %mul3A = arith.constant 2 : i32
    %mul3A_0 = arith.muli %arg1, %mul3A : i32
    %add3A = arith.addi %mul3A_0, %arg0 : i32
    %mul3A_1 = arith.constant 1024 : i32
    %mul3A_2 = arith.muli %add3A, %mul3A_1 : i32
    %mul3A_3 = arith.constant 16 : i32
    %mul3A_4 = arith.muli %add3A, %mul3A_3 : i32
    "tpu.region"() ({
      %run_scoped3A = tpu.sem_alloc : memref<!tpu.dma_semaphore, #tpu.memory_space<semaphore_mem>>
      %dma_start3A_363 = arith.constant 0 : i32
      %dma_start3A_364 = tpu.memref_slice %arg3[%mul3A_4, %dma_start3A_363] : memref<512x64xi32, #tpu.memory_space<hbm>> -> memref<16x64xi32, #tpu.memory_space<hbm>>
      %dma_start3A_365 = arith.constant 0 : i32
      %dma_start3A_366 = tpu.memref_slice %arg3[%mul3A_4, %dma_start3A_365] : memref<512x64xi32, #tpu.memory_space<hbm>> -> memref<16x64xi32, #tpu.memory_space<hbm>>
      tpu.enqueue_dma source(%dma_start3A_366 : memref<16x64xi32, #tpu.memory_space<hbm>>) target(%arg5 : memref<16x64xi32, #tpu.memory_space<vmem>>) target_semaphore(%run_scoped3A : memref<!tpu.dma_semaphore, #tpu.memory_space<semaphore_mem>>)
      %dma_wait3A_367 = arith.constant 0 : i32
      %dma_wait3A_368 = tpu.memref_slice %arg3[%mul3A_4, %dma_wait3A_367] : memref<512x64xi32, #tpu.memory_space<hbm>> -> memref<16x64xi32, #tpu.memory_space<hbm>>
      %dma_wait3A_369 = arith.constant 0 : i32
      %dma_wait3A_370 = tpu.memref_slice %arg3[%mul3A_4, %dma_wait3A_369] : memref<512x64xi32, #tpu.memory_space<hbm>> -> memref<16x64xi32, #tpu.memory_space<hbm>>
      tpu.wait_dma2 semaphore(%run_scoped3A : memref<!tpu.dma_semaphore, #tpu.memory_space<semaphore_mem>>) src(%dma_wait3A_370 : memref<16x64xi32, #tpu.memory_space<hbm>>) dst(%arg5 : memref<16x64xi32, #tpu.memory_space<vmem>>)
      tpu.yield
    }) : () -> ()
    %dma_start3A = arith.constant 0 : i32
    %dma_start3A_5 = arith.constant 0 : i32
    %dma_start3A_6 = arith.constant 0 : i32
    %dma_start3A_7 = tpu.memref_slice %arg6[%dma_start3A_5, %dma_start3A_6] : memref<256x128xf32, #tpu.memory_space<vmem>> -> memref<64x128xf32, #tpu.memory_space<vmem>>
    %dma_start3A_8 = arith.constant 0 : i32
    %dma_start3A_9 = tpu.memref_slice %arg5[%dma_start3A, %dma_start3A_8] : memref<16x64xi32, #tpu.memory_space<vmem>> -> memref<1x64xi32, #tpu.memory_space<vmem>>
    %dma_start3A_10 = tpu.memref_squeeze %dma_start3A_9 : memref<1x64xi32, #tpu.memory_space<vmem>> -> memref<64xi32, #tpu.memory_space<vmem>>
    %dma_start3A_11 = arith.constant 0 : i32
    %dma_start3A_12 = arith.constant 0 : i32
    %dma_start3A_13 = tpu.memref_slice %arg2[%dma_start3A_11, %dma_start3A_12] : memref<8192x128xf32, #tpu.memory_space<hbm>> -> memref<8192x128xf32, #tpu.memory_space<hbm>>
    tpu.enqueue_indirect_dma source(%dma_start3A_13 : memref<8192x128xf32, #tpu.memory_space<hbm>>) target(%dma_start3A_7 : memref<64x128xf32, #tpu.memory_space<vmem>>) offsets(%dma_start3A_10 : memref<64xi32, #tpu.memory_space<vmem>>) semaphore(%arg8 : memref<!tpu.dma_semaphore, #tpu.memory_space<semaphore_mem>>)
    %dma_start3A_14 = arith.constant 1 : i32
    %dma_start3A_15 = arith.constant 64 : i32
    %dma_start3A_16 = arith.constant 0 : i32
    %dma_start3A_17 = tpu.memref_slice %arg6[%dma_start3A_15, %dma_start3A_16] : memref<256x128xf32, #tpu.memory_space<vmem>> -> memref<64x128xf32, #tpu.memory_space<vmem>>
    %dma_start3A_18 = arith.constant 0 : i32
    %dma_start3A_19 = tpu.memref_slice %arg5[%dma_start3A_14, %dma_start3A_18] : memref<16x64xi32, #tpu.memory_space<vmem>> -> memref<1x64xi32, #tpu.memory_space<vmem>>
    %dma_start3A_20 = tpu.memref_squeeze %dma_start3A_19 : memref<1x64xi32, #tpu.memory_space<vmem>> -> memref<64xi32, #tpu.memory_space<vmem>>
    %dma_start3A_21 = arith.constant 0 : i32
    %dma_start3A_22 = arith.constant 0 : i32
    %dma_start3A_23 = tpu.memref_slice %arg2[%dma_start3A_21, %dma_start3A_22] : memref<8192x128xf32, #tpu.memory_space<hbm>> -> memref<8192x128xf32, #tpu.memory_space<hbm>>
    tpu.enqueue_indirect_dma source(%dma_start3A_23 : memref<8192x128xf32, #tpu.memory_space<hbm>>) target(%dma_start3A_17 : memref<64x128xf32, #tpu.memory_space<vmem>>) offsets(%dma_start3A_20 : memref<64xi32, #tpu.memory_space<vmem>>) semaphore(%arg8 : memref<!tpu.dma_semaphore, #tpu.memory_space<semaphore_mem>>)
    %dma_start3A_24 = arith.constant 2 : i32
    %dma_start3A_25 = arith.constant 128 : i32
    %dma_start3A_26 = arith.constant 0 : i32
    %dma_start3A_27 = tpu.memref_slice %arg6[%dma_start3A_25, %dma_start3A_26] : memref<256x128xf32, #tpu.memory_space<vmem>> -> memref<64x128xf32, #tpu.memory_space<vmem>>
    %dma_start3A_28 = arith.constant 0 : i32
    %dma_start3A_29 = tpu.memref_slice %arg5[%dma_start3A_24, %dma_start3A_28] : memref<16x64xi32, #tpu.memory_space<vmem>> -> memref<1x64xi32, #tpu.memory_space<vmem>>
    %dma_start3A_30 = tpu.memref_squeeze %dma_start3A_29 : memref<1x64xi32, #tpu.memory_space<vmem>> -> memref<64xi32, #tpu.memory_space<vmem>>
    %dma_start3A_31 = arith.constant 0 : i32
    %dma_start3A_32 = arith.constant 0 : i32
    %dma_start3A_33 = tpu.memref_slice %arg2[%dma_start3A_31, %dma_start3A_32] : memref<8192x128xf32, #tpu.memory_space<hbm>> -> memref<8192x128xf32, #tpu.memory_space<hbm>>
    tpu.enqueue_indirect_dma source(%dma_start3A_33 : memref<8192x128xf32, #tpu.memory_space<hbm>>) target(%dma_start3A_27 : memref<64x128xf32, #tpu.memory_space<vmem>>) offsets(%dma_start3A_30 : memref<64xi32, #tpu.memory_space<vmem>>) semaphore(%arg8 : memref<!tpu.dma_semaphore, #tpu.memory_space<semaphore_mem>>)
    %dma_start3A_34 = arith.constant 3 : i32
    %dma_start3A_35 = arith.constant 192 : i32
    %dma_start3A_36 = arith.constant 0 : i32
    %dma_start3A_37 = tpu.memref_slice %arg6[%dma_start3A_35, %dma_start3A_36] : memref<256x128xf32, #tpu.memory_space<vmem>> -> memref<64x128xf32, #tpu.memory_space<vmem>>
    %dma_start3A_38 = arith.constant 0 : i32
    %dma_start3A_39 = tpu.memref_slice %arg5[%dma_start3A_34, %dma_start3A_38] : memref<16x64xi32, #tpu.memory_space<vmem>> -> memref<1x64xi32, #tpu.memory_space<vmem>>
    %dma_start3A_40 = tpu.memref_squeeze %dma_start3A_39 : memref<1x64xi32, #tpu.memory_space<vmem>> -> memref<64xi32, #tpu.memory_space<vmem>>
    %dma_start3A_41 = arith.constant 0 : i32
    %dma_start3A_42 = arith.constant 0 : i32
    %dma_start3A_43 = tpu.memref_slice %arg2[%dma_start3A_41, %dma_start3A_42] : memref<8192x128xf32, #tpu.memory_space<hbm>> -> memref<8192x128xf32, #tpu.memory_space<hbm>>
    tpu.enqueue_indirect_dma source(%dma_start3A_43 : memref<8192x128xf32, #tpu.memory_space<hbm>>) target(%dma_start3A_37 : memref<64x128xf32, #tpu.memory_space<vmem>>) offsets(%dma_start3A_40 : memref<64xi32, #tpu.memory_space<vmem>>) semaphore(%arg8 : memref<!tpu.dma_semaphore, #tpu.memory_space<semaphore_mem>>)
    %dma_start3A_44 = arith.constant 4 : i32
    %dma_start3A_45 = arith.constant 0 : i32
    %dma_start3A_46 = arith.constant 0 : i32
    %dma_start3A_47 = tpu.memref_slice %arg7[%dma_start3A_45, %dma_start3A_46] : memref<256x128xf32, #tpu.memory_space<vmem>> -> memref<64x128xf32, #tpu.memory_space<vmem>>
    %dma_start3A_48 = arith.constant 0 : i32
    %dma_start3A_49 = tpu.memref_slice %arg5[%dma_start3A_44, %dma_start3A_48] : memref<16x64xi32, #tpu.memory_space<vmem>> -> memref<1x64xi32, #tpu.memory_space<vmem>>
    %dma_start3A_50 = tpu.memref_squeeze %dma_start3A_49 : memref<1x64xi32, #tpu.memory_space<vmem>> -> memref<64xi32, #tpu.memory_space<vmem>>
    %dma_start3A_51 = arith.constant 0 : i32
    %dma_start3A_52 = arith.constant 0 : i32
    %dma_start3A_53 = tpu.memref_slice %arg2[%dma_start3A_51, %dma_start3A_52] : memref<8192x128xf32, #tpu.memory_space<hbm>> -> memref<8192x128xf32, #tpu.memory_space<hbm>>
    tpu.enqueue_indirect_dma source(%dma_start3A_53 : memref<8192x128xf32, #tpu.memory_space<hbm>>) target(%dma_start3A_47 : memref<64x128xf32, #tpu.memory_space<vmem>>) offsets(%dma_start3A_50 : memref<64xi32, #tpu.memory_space<vmem>>) semaphore(%arg9 : memref<!tpu.dma_semaphore, #tpu.memory_space<semaphore_mem>>)
    %dma_start3A_54 = arith.constant 5 : i32
    %dma_start3A_55 = arith.constant 64 : i32
    %dma_start3A_56 = arith.constant 0 : i32
    %dma_start3A_57 = tpu.memref_slice %arg7[%dma_start3A_55, %dma_start3A_56] : memref<256x128xf32, #tpu.memory_space<vmem>> -> memref<64x128xf32, #tpu.memory_space<vmem>>
    %dma_start3A_58 = arith.constant 0 : i32
    %dma_start3A_59 = tpu.memref_slice %arg5[%dma_start3A_54, %dma_start3A_58] : memref<16x64xi32, #tpu.memory_space<vmem>> -> memref<1x64xi32, #tpu.memory_space<vmem>>
    %dma_start3A_60 = tpu.memref_squeeze %dma_start3A_59 : memref<1x64xi32, #tpu.memory_space<vmem>> -> memref<64xi32, #tpu.memory_space<vmem>>
    %dma_start3A_61 = arith.constant 0 : i32
    %dma_start3A_62 = arith.constant 0 : i32
    %dma_start3A_63 = tpu.memref_slice %arg2[%dma_start3A_61, %dma_start3A_62] : memref<8192x128xf32, #tpu.memory_space<hbm>> -> memref<8192x128xf32, #tpu.memory_space<hbm>>
    tpu.enqueue_indirect_dma source(%dma_start3A_63 : memref<8192x128xf32, #tpu.memory_space<hbm>>) target(%dma_start3A_57 : memref<64x128xf32, #tpu.memory_space<vmem>>) offsets(%dma_start3A_60 : memref<64xi32, #tpu.memory_space<vmem>>) semaphore(%arg9 : memref<!tpu.dma_semaphore, #tpu.memory_space<semaphore_mem>>)
    %dma_start3A_64 = arith.constant 6 : i32
    %dma_start3A_65 = arith.constant 128 : i32
    %dma_start3A_66 = arith.constant 0 : i32
    %dma_start3A_67 = tpu.memref_slice %arg7[%dma_start3A_65, %dma_start3A_66] : memref<256x128xf32, #tpu.memory_space<vmem>> -> memref<64x128xf32, #tpu.memory_space<vmem>>
    %dma_start3A_68 = arith.constant 0 : i32
    %dma_start3A_69 = tpu.memref_slice %arg5[%dma_start3A_64, %dma_start3A_68] : memref<16x64xi32, #tpu.memory_space<vmem>> -> memref<1x64xi32, #tpu.memory_space<vmem>>
    %dma_start3A_70 = tpu.memref_squeeze %dma_start3A_69 : memref<1x64xi32, #tpu.memory_space<vmem>> -> memref<64xi32, #tpu.memory_space<vmem>>
    %dma_start3A_71 = arith.constant 0 : i32
    %dma_start3A_72 = arith.constant 0 : i32
    %dma_start3A_73 = tpu.memref_slice %arg2[%dma_start3A_71, %dma_start3A_72] : memref<8192x128xf32, #tpu.memory_space<hbm>> -> memref<8192x128xf32, #tpu.memory_space<hbm>>
    tpu.enqueue_indirect_dma source(%dma_start3A_73 : memref<8192x128xf32, #tpu.memory_space<hbm>>) target(%dma_start3A_67 : memref<64x128xf32, #tpu.memory_space<vmem>>) offsets(%dma_start3A_70 : memref<64xi32, #tpu.memory_space<vmem>>) semaphore(%arg9 : memref<!tpu.dma_semaphore, #tpu.memory_space<semaphore_mem>>)
    %dma_start3A_74 = arith.constant 7 : i32
    %dma_start3A_75 = arith.constant 192 : i32
    %dma_start3A_76 = arith.constant 0 : i32
    %dma_start3A_77 = tpu.memref_slice %arg7[%dma_start3A_75, %dma_start3A_76] : memref<256x128xf32, #tpu.memory_space<vmem>> -> memref<64x128xf32, #tpu.memory_space<vmem>>
    %dma_start3A_78 = arith.constant 0 : i32
    %dma_start3A_79 = tpu.memref_slice %arg5[%dma_start3A_74, %dma_start3A_78] : memref<16x64xi32, #tpu.memory_space<vmem>> -> memref<1x64xi32, #tpu.memory_space<vmem>>
    %dma_start3A_80 = tpu.memref_squeeze %dma_start3A_79 : memref<1x64xi32, #tpu.memory_space<vmem>> -> memref<64xi32, #tpu.memory_space<vmem>>
    %dma_start3A_81 = arith.constant 0 : i32
    %dma_start3A_82 = arith.constant 0 : i32
    %dma_start3A_83 = tpu.memref_slice %arg2[%dma_start3A_81, %dma_start3A_82] : memref<8192x128xf32, #tpu.memory_space<hbm>> -> memref<8192x128xf32, #tpu.memory_space<hbm>>
    tpu.enqueue_indirect_dma source(%dma_start3A_83 : memref<8192x128xf32, #tpu.memory_space<hbm>>) target(%dma_start3A_77 : memref<64x128xf32, #tpu.memory_space<vmem>>) offsets(%dma_start3A_80 : memref<64xi32, #tpu.memory_space<vmem>>) semaphore(%arg9 : memref<!tpu.dma_semaphore, #tpu.memory_space<semaphore_mem>>)
    %dma_wait3A = arith.constant 0 : i32
    %dma_wait3A_84 = arith.constant 0 : i32
    %dma_wait3A_85 = arith.constant 0 : i32
    %dma_wait3A_86 = tpu.memref_slice %arg6[%dma_wait3A_84, %dma_wait3A_85] : memref<256x128xf32, #tpu.memory_space<vmem>> -> memref<64x128xf32, #tpu.memory_space<vmem>>
    %dma_wait3A_87 = arith.constant 0 : i32
    %dma_wait3A_88 = tpu.memref_slice %arg5[%dma_wait3A, %dma_wait3A_87] : memref<16x64xi32, #tpu.memory_space<vmem>> -> memref<1x64xi32, #tpu.memory_space<vmem>>
    %dma_wait3A_89 = tpu.memref_squeeze %dma_wait3A_88 : memref<1x64xi32, #tpu.memory_space<vmem>> -> memref<64xi32, #tpu.memory_space<vmem>>
    %dma_wait3A_90 = arith.constant 0 : i32
    %dma_wait3A_91 = arith.constant 0 : i32
    %dma_wait3A_92 = tpu.memref_slice %arg2[%dma_wait3A_90, %dma_wait3A_91] : memref<8192x128xf32, #tpu.memory_space<hbm>> -> memref<8192x128xf32, #tpu.memory_space<hbm>>
    tpu.wait_indirect_dma semaphore(%arg8 : memref<!tpu.dma_semaphore, #tpu.memory_space<semaphore_mem>>) src(%dma_wait3A_92 : memref<8192x128xf32, #tpu.memory_space<hbm>>) dst(%dma_wait3A_86 : memref<64x128xf32, #tpu.memory_space<vmem>>)
    %dma_wait3A_93 = arith.constant 1 : i32
    %dma_wait3A_94 = arith.constant 64 : i32
    %dma_wait3A_95 = arith.constant 0 : i32
    %dma_wait3A_96 = tpu.memref_slice %arg6[%dma_wait3A_94, %dma_wait3A_95] : memref<256x128xf32, #tpu.memory_space<vmem>> -> memref<64x128xf32, #tpu.memory_space<vmem>>
    %dma_wait3A_97 = arith.constant 0 : i32
    %dma_wait3A_98 = tpu.memref_slice %arg5[%dma_wait3A_93, %dma_wait3A_97] : memref<16x64xi32, #tpu.memory_space<vmem>> -> memref<1x64xi32, #tpu.memory_space<vmem>>
    %dma_wait3A_99 = tpu.memref_squeeze %dma_wait3A_98 : memref<1x64xi32, #tpu.memory_space<vmem>> -> memref<64xi32, #tpu.memory_space<vmem>>
    %dma_wait3A_100 = arith.constant 0 : i32
    %dma_wait3A_101 = arith.constant 0 : i32
    %dma_wait3A_102 = tpu.memref_slice %arg2[%dma_wait3A_100, %dma_wait3A_101] : memref<8192x128xf32, #tpu.memory_space<hbm>> -> memref<8192x128xf32, #tpu.memory_space<hbm>>
    tpu.wait_indirect_dma semaphore(%arg8 : memref<!tpu.dma_semaphore, #tpu.memory_space<semaphore_mem>>) src(%dma_wait3A_102 : memref<8192x128xf32, #tpu.memory_space<hbm>>) dst(%dma_wait3A_96 : memref<64x128xf32, #tpu.memory_space<vmem>>)
    %dma_wait3A_103 = arith.constant 2 : i32
    %dma_wait3A_104 = arith.constant 128 : i32
    %dma_wait3A_105 = arith.constant 0 : i32
    %dma_wait3A_106 = tpu.memref_slice %arg6[%dma_wait3A_104, %dma_wait3A_105] : memref<256x128xf32, #tpu.memory_space<vmem>> -> memref<64x128xf32, #tpu.memory_space<vmem>>
    %dma_wait3A_107 = arith.constant 0 : i32
    %dma_wait3A_108 = tpu.memref_slice %arg5[%dma_wait3A_103, %dma_wait3A_107] : memref<16x64xi32, #tpu.memory_space<vmem>> -> memref<1x64xi32, #tpu.memory_space<vmem>>
    %dma_wait3A_109 = tpu.memref_squeeze %dma_wait3A_108 : memref<1x64xi32, #tpu.memory_space<vmem>> -> memref<64xi32, #tpu.memory_space<vmem>>
    %dma_wait3A_110 = arith.constant 0 : i32
    %dma_wait3A_111 = arith.constant 0 : i32
    %dma_wait3A_112 = tpu.memref_slice %arg2[%dma_wait3A_110, %dma_wait3A_111] : memref<8192x128xf32, #tpu.memory_space<hbm>> -> memref<8192x128xf32, #tpu.memory_space<hbm>>
    tpu.wait_indirect_dma semaphore(%arg8 : memref<!tpu.dma_semaphore, #tpu.memory_space<semaphore_mem>>) src(%dma_wait3A_112 : memref<8192x128xf32, #tpu.memory_space<hbm>>) dst(%dma_wait3A_106 : memref<64x128xf32, #tpu.memory_space<vmem>>)
    %dma_wait3A_113 = arith.constant 3 : i32
    %dma_wait3A_114 = arith.constant 192 : i32
    %dma_wait3A_115 = arith.constant 0 : i32
    %dma_wait3A_116 = tpu.memref_slice %arg6[%dma_wait3A_114, %dma_wait3A_115] : memref<256x128xf32, #tpu.memory_space<vmem>> -> memref<64x128xf32, #tpu.memory_space<vmem>>
    %dma_wait3A_117 = arith.constant 0 : i32
    %dma_wait3A_118 = tpu.memref_slice %arg5[%dma_wait3A_113, %dma_wait3A_117] : memref<16x64xi32, #tpu.memory_space<vmem>> -> memref<1x64xi32, #tpu.memory_space<vmem>>
    %dma_wait3A_119 = tpu.memref_squeeze %dma_wait3A_118 : memref<1x64xi32, #tpu.memory_space<vmem>> -> memref<64xi32, #tpu.memory_space<vmem>>
    %dma_wait3A_120 = arith.constant 0 : i32
    %dma_wait3A_121 = arith.constant 0 : i32
    %dma_wait3A_122 = tpu.memref_slice %arg2[%dma_wait3A_120, %dma_wait3A_121] : memref<8192x128xf32, #tpu.memory_space<hbm>> -> memref<8192x128xf32, #tpu.memory_space<hbm>>
    tpu.wait_indirect_dma semaphore(%arg8 : memref<!tpu.dma_semaphore, #tpu.memory_space<semaphore_mem>>) src(%dma_wait3A_122 : memref<8192x128xf32, #tpu.memory_space<hbm>>) dst(%dma_wait3A_116 : memref<64x128xf32, #tpu.memory_space<vmem>>)
    %add3A_123 = arith.constant 0 : i32
    %add3A_124 = arith.addi %mul3A_2, %add3A_123 : i32
    %dma_start3A_125 = arith.constant 0 : i32
    %dma_start3A_126 = tpu.memref_slice %arg4[%add3A_124, %dma_start3A_125] : memref<32768x128xf32, #tpu.memory_space<hbm>> -> memref<256x128xf32, #tpu.memory_space<hbm>>
    %dma_start3A_127 = arith.constant 0 : i32
    %dma_start3A_128 = tpu.memref_slice %arg4[%add3A_124, %dma_start3A_127] : memref<32768x128xf32, #tpu.memory_space<hbm>> -> memref<256x128xf32, #tpu.memory_space<hbm>>
    tpu.enqueue_dma source(%arg6 : memref<256x128xf32, #tpu.memory_space<vmem>>) target(%dma_start3A_128 : memref<256x128xf32, #tpu.memory_space<hbm>>) target_semaphore(%arg10 : memref<!tpu.dma_semaphore, #tpu.memory_space<semaphore_mem>>)
    %dma_wait3A_129 = arith.constant 0 : i32
    %dma_wait3A_130 = tpu.memref_slice %arg4[%add3A_124, %dma_wait3A_129] : memref<32768x128xf32, #tpu.memory_space<hbm>> -> memref<256x128xf32, #tpu.memory_space<hbm>>
    %dma_wait3A_131 = arith.constant 0 : i32
    %dma_wait3A_132 = tpu.memref_slice %arg4[%add3A_124, %dma_wait3A_131] : memref<32768x128xf32, #tpu.memory_space<hbm>> -> memref<256x128xf32, #tpu.memory_space<hbm>>
    tpu.wait_dma2 semaphore(%arg10 : memref<!tpu.dma_semaphore, #tpu.memory_space<semaphore_mem>>) src(%arg6 : memref<256x128xf32, #tpu.memory_space<vmem>>) dst(%dma_wait3A_132 : memref<256x128xf32, #tpu.memory_space<hbm>>)
    %dma_start3A_133 = arith.constant 8 : i32
    %dma_start3A_134 = arith.constant 0 : i32
    %dma_start3A_135 = arith.constant 0 : i32
    %dma_start3A_136 = tpu.memref_slice %arg6[%dma_start3A_134, %dma_start3A_135] : memref<256x128xf32, #tpu.memory_space<vmem>> -> memref<64x128xf32, #tpu.memory_space<vmem>>
    %dma_start3A_137 = arith.constant 0 : i32
    %dma_start3A_138 = tpu.memref_slice %arg5[%dma_start3A_133, %dma_start3A_137] : memref<16x64xi32, #tpu.memory_space<vmem>> -> memref<1x64xi32, #tpu.memory_space<vmem>>
    %dma_start3A_139 = tpu.memref_squeeze %dma_start3A_138 : memref<1x64xi32, #tpu.memory_space<vmem>> -> memref<64xi32, #tpu.memory_space<vmem>>
    %dma_start3A_140 = arith.constant 0 : i32
    %dma_start3A_141 = arith.constant 0 : i32
    %dma_start3A_142 = tpu.memref_slice %arg2[%dma_start3A_140, %dma_start3A_141] : memref<8192x128xf32, #tpu.memory_space<hbm>> -> memref<8192x128xf32, #tpu.memory_space<hbm>>
    tpu.enqueue_indirect_dma source(%dma_start3A_142 : memref<8192x128xf32, #tpu.memory_space<hbm>>) target(%dma_start3A_136 : memref<64x128xf32, #tpu.memory_space<vmem>>) offsets(%dma_start3A_139 : memref<64xi32, #tpu.memory_space<vmem>>) semaphore(%arg8 : memref<!tpu.dma_semaphore, #tpu.memory_space<semaphore_mem>>)
    %dma_start3A_143 = arith.constant 9 : i32
    %dma_start3A_144 = arith.constant 64 : i32
    %dma_start3A_145 = arith.constant 0 : i32
    %dma_start3A_146 = tpu.memref_slice %arg6[%dma_start3A_144, %dma_start3A_145] : memref<256x128xf32, #tpu.memory_space<vmem>> -> memref<64x128xf32, #tpu.memory_space<vmem>>
    %dma_start3A_147 = arith.constant 0 : i32
    %dma_start3A_148 = tpu.memref_slice %arg5[%dma_start3A_143, %dma_start3A_147] : memref<16x64xi32, #tpu.memory_space<vmem>> -> memref<1x64xi32, #tpu.memory_space<vmem>>
    %dma_start3A_149 = tpu.memref_squeeze %dma_start3A_148 : memref<1x64xi32, #tpu.memory_space<vmem>> -> memref<64xi32, #tpu.memory_space<vmem>>
    %dma_start3A_150 = arith.constant 0 : i32
    %dma_start3A_151 = arith.constant 0 : i32
    %dma_start3A_152 = tpu.memref_slice %arg2[%dma_start3A_150, %dma_start3A_151] : memref<8192x128xf32, #tpu.memory_space<hbm>> -> memref<8192x128xf32, #tpu.memory_space<hbm>>
    tpu.enqueue_indirect_dma source(%dma_start3A_152 : memref<8192x128xf32, #tpu.memory_space<hbm>>) target(%dma_start3A_146 : memref<64x128xf32, #tpu.memory_space<vmem>>) offsets(%dma_start3A_149 : memref<64xi32, #tpu.memory_space<vmem>>) semaphore(%arg8 : memref<!tpu.dma_semaphore, #tpu.memory_space<semaphore_mem>>)
    %dma_start3A_153 = arith.constant 10 : i32
    %dma_start3A_154 = arith.constant 128 : i32
    %dma_start3A_155 = arith.constant 0 : i32
    %dma_start3A_156 = tpu.memref_slice %arg6[%dma_start3A_154, %dma_start3A_155] : memref<256x128xf32, #tpu.memory_space<vmem>> -> memref<64x128xf32, #tpu.memory_space<vmem>>
    %dma_start3A_157 = arith.constant 0 : i32
    %dma_start3A_158 = tpu.memref_slice %arg5[%dma_start3A_153, %dma_start3A_157] : memref<16x64xi32, #tpu.memory_space<vmem>> -> memref<1x64xi32, #tpu.memory_space<vmem>>
    %dma_start3A_159 = tpu.memref_squeeze %dma_start3A_158 : memref<1x64xi32, #tpu.memory_space<vmem>> -> memref<64xi32, #tpu.memory_space<vmem>>
    %dma_start3A_160 = arith.constant 0 : i32
    %dma_start3A_161 = arith.constant 0 : i32
    %dma_start3A_162 = tpu.memref_slice %arg2[%dma_start3A_160, %dma_start3A_161] : memref<8192x128xf32, #tpu.memory_space<hbm>> -> memref<8192x128xf32, #tpu.memory_space<hbm>>
    tpu.enqueue_indirect_dma source(%dma_start3A_162 : memref<8192x128xf32, #tpu.memory_space<hbm>>) target(%dma_start3A_156 : memref<64x128xf32, #tpu.memory_space<vmem>>) offsets(%dma_start3A_159 : memref<64xi32, #tpu.memory_space<vmem>>) semaphore(%arg8 : memref<!tpu.dma_semaphore, #tpu.memory_space<semaphore_mem>>)
    %dma_start3A_163 = arith.constant 11 : i32
    %dma_start3A_164 = arith.constant 192 : i32
    %dma_start3A_165 = arith.constant 0 : i32
    %dma_start3A_166 = tpu.memref_slice %arg6[%dma_start3A_164, %dma_start3A_165] : memref<256x128xf32, #tpu.memory_space<vmem>> -> memref<64x128xf32, #tpu.memory_space<vmem>>
    %dma_start3A_167 = arith.constant 0 : i32
    %dma_start3A_168 = tpu.memref_slice %arg5[%dma_start3A_163, %dma_start3A_167] : memref<16x64xi32, #tpu.memory_space<vmem>> -> memref<1x64xi32, #tpu.memory_space<vmem>>
    %dma_start3A_169 = tpu.memref_squeeze %dma_start3A_168 : memref<1x64xi32, #tpu.memory_space<vmem>> -> memref<64xi32, #tpu.memory_space<vmem>>
    %dma_start3A_170 = arith.constant 0 : i32
    %dma_start3A_171 = arith.constant 0 : i32
    %dma_start3A_172 = tpu.memref_slice %arg2[%dma_start3A_170, %dma_start3A_171] : memref<8192x128xf32, #tpu.memory_space<hbm>> -> memref<8192x128xf32, #tpu.memory_space<hbm>>
    tpu.enqueue_indirect_dma source(%dma_start3A_172 : memref<8192x128xf32, #tpu.memory_space<hbm>>) target(%dma_start3A_166 : memref<64x128xf32, #tpu.memory_space<vmem>>) offsets(%dma_start3A_169 : memref<64xi32, #tpu.memory_space<vmem>>) semaphore(%arg8 : memref<!tpu.dma_semaphore, #tpu.memory_space<semaphore_mem>>)
    %dma_wait3A_173 = arith.constant 4 : i32
    %dma_wait3A_174 = arith.constant 0 : i32
    %dma_wait3A_175 = arith.constant 0 : i32
    %dma_wait3A_176 = tpu.memref_slice %arg7[%dma_wait3A_174, %dma_wait3A_175] : memref<256x128xf32, #tpu.memory_space<vmem>> -> memref<64x128xf32, #tpu.memory_space<vmem>>
    %dma_wait3A_177 = arith.constant 0 : i32
    %dma_wait3A_178 = tpu.memref_slice %arg5[%dma_wait3A_173, %dma_wait3A_177] : memref<16x64xi32, #tpu.memory_space<vmem>> -> memref<1x64xi32, #tpu.memory_space<vmem>>
    %dma_wait3A_179 = tpu.memref_squeeze %dma_wait3A_178 : memref<1x64xi32, #tpu.memory_space<vmem>> -> memref<64xi32, #tpu.memory_space<vmem>>
    %dma_wait3A_180 = arith.constant 0 : i32
    %dma_wait3A_181 = arith.constant 0 : i32
    %dma_wait3A_182 = tpu.memref_slice %arg2[%dma_wait3A_180, %dma_wait3A_181] : memref<8192x128xf32, #tpu.memory_space<hbm>> -> memref<8192x128xf32, #tpu.memory_space<hbm>>
    tpu.wait_indirect_dma semaphore(%arg9 : memref<!tpu.dma_semaphore, #tpu.memory_space<semaphore_mem>>) src(%dma_wait3A_182 : memref<8192x128xf32, #tpu.memory_space<hbm>>) dst(%dma_wait3A_176 : memref<64x128xf32, #tpu.memory_space<vmem>>)
    %dma_wait3A_183 = arith.constant 5 : i32
    %dma_wait3A_184 = arith.constant 64 : i32
    %dma_wait3A_185 = arith.constant 0 : i32
    %dma_wait3A_186 = tpu.memref_slice %arg7[%dma_wait3A_184, %dma_wait3A_185] : memref<256x128xf32, #tpu.memory_space<vmem>> -> memref<64x128xf32, #tpu.memory_space<vmem>>
    %dma_wait3A_187 = arith.constant 0 : i32
    %dma_wait3A_188 = tpu.memref_slice %arg5[%dma_wait3A_183, %dma_wait3A_187] : memref<16x64xi32, #tpu.memory_space<vmem>> -> memref<1x64xi32, #tpu.memory_space<vmem>>
    %dma_wait3A_189 = tpu.memref_squeeze %dma_wait3A_188 : memref<1x64xi32, #tpu.memory_space<vmem>> -> memref<64xi32, #tpu.memory_space<vmem>>
    %dma_wait3A_190 = arith.constant 0 : i32
    %dma_wait3A_191 = arith.constant 0 : i32
    %dma_wait3A_192 = tpu.memref_slice %arg2[%dma_wait3A_190, %dma_wait3A_191] : memref<8192x128xf32, #tpu.memory_space<hbm>> -> memref<8192x128xf32, #tpu.memory_space<hbm>>
    tpu.wait_indirect_dma semaphore(%arg9 : memref<!tpu.dma_semaphore, #tpu.memory_space<semaphore_mem>>) src(%dma_wait3A_192 : memref<8192x128xf32, #tpu.memory_space<hbm>>) dst(%dma_wait3A_186 : memref<64x128xf32, #tpu.memory_space<vmem>>)
    %dma_wait3A_193 = arith.constant 6 : i32
    %dma_wait3A_194 = arith.constant 128 : i32
    %dma_wait3A_195 = arith.constant 0 : i32
    %dma_wait3A_196 = tpu.memref_slice %arg7[%dma_wait3A_194, %dma_wait3A_195] : memref<256x128xf32, #tpu.memory_space<vmem>> -> memref<64x128xf32, #tpu.memory_space<vmem>>
    %dma_wait3A_197 = arith.constant 0 : i32
    %dma_wait3A_198 = tpu.memref_slice %arg5[%dma_wait3A_193, %dma_wait3A_197] : memref<16x64xi32, #tpu.memory_space<vmem>> -> memref<1x64xi32, #tpu.memory_space<vmem>>
    %dma_wait3A_199 = tpu.memref_squeeze %dma_wait3A_198 : memref<1x64xi32, #tpu.memory_space<vmem>> -> memref<64xi32, #tpu.memory_space<vmem>>
    %dma_wait3A_200 = arith.constant 0 : i32
    %dma_wait3A_201 = arith.constant 0 : i32
    %dma_wait3A_202 = tpu.memref_slice %arg2[%dma_wait3A_200, %dma_wait3A_201] : memref<8192x128xf32, #tpu.memory_space<hbm>> -> memref<8192x128xf32, #tpu.memory_space<hbm>>
    tpu.wait_indirect_dma semaphore(%arg9 : memref<!tpu.dma_semaphore, #tpu.memory_space<semaphore_mem>>) src(%dma_wait3A_202 : memref<8192x128xf32, #tpu.memory_space<hbm>>) dst(%dma_wait3A_196 : memref<64x128xf32, #tpu.memory_space<vmem>>)
    %dma_wait3A_203 = arith.constant 7 : i32
    %dma_wait3A_204 = arith.constant 192 : i32
    %dma_wait3A_205 = arith.constant 0 : i32
    %dma_wait3A_206 = tpu.memref_slice %arg7[%dma_wait3A_204, %dma_wait3A_205] : memref<256x128xf32, #tpu.memory_space<vmem>> -> memref<64x128xf32, #tpu.memory_space<vmem>>
    %dma_wait3A_207 = arith.constant 0 : i32
    %dma_wait3A_208 = tpu.memref_slice %arg5[%dma_wait3A_203, %dma_wait3A_207] : memref<16x64xi32, #tpu.memory_space<vmem>> -> memref<1x64xi32, #tpu.memory_space<vmem>>
    %dma_wait3A_209 = tpu.memref_squeeze %dma_wait3A_208 : memref<1x64xi32, #tpu.memory_space<vmem>> -> memref<64xi32, #tpu.memory_space<vmem>>
    %dma_wait3A_210 = arith.constant 0 : i32
    %dma_wait3A_211 = arith.constant 0 : i32
    %dma_wait3A_212 = tpu.memref_slice %arg2[%dma_wait3A_210, %dma_wait3A_211] : memref<8192x128xf32, #tpu.memory_space<hbm>> -> memref<8192x128xf32, #tpu.memory_space<hbm>>
    tpu.wait_indirect_dma semaphore(%arg9 : memref<!tpu.dma_semaphore, #tpu.memory_space<semaphore_mem>>) src(%dma_wait3A_212 : memref<8192x128xf32, #tpu.memory_space<hbm>>) dst(%dma_wait3A_206 : memref<64x128xf32, #tpu.memory_space<vmem>>)
    %add3A_213 = arith.constant 256 : i32
    %add3A_214 = arith.addi %mul3A_2, %add3A_213 : i32
    %dma_start3A_215 = arith.constant 0 : i32
    %dma_start3A_216 = tpu.memref_slice %arg4[%add3A_214, %dma_start3A_215] : memref<32768x128xf32, #tpu.memory_space<hbm>> -> memref<256x128xf32, #tpu.memory_space<hbm>>
    %dma_start3A_217 = arith.constant 0 : i32
    %dma_start3A_218 = tpu.memref_slice %arg4[%add3A_214, %dma_start3A_217] : memref<32768x128xf32, #tpu.memory_space<hbm>> -> memref<256x128xf32, #tpu.memory_space<hbm>>
    tpu.enqueue_dma source(%arg7 : memref<256x128xf32, #tpu.memory_space<vmem>>) target(%dma_start3A_218 : memref<256x128xf32, #tpu.memory_space<hbm>>) target_semaphore(%arg11 : memref<!tpu.dma_semaphore, #tpu.memory_space<semaphore_mem>>)
    %dma_wait3A_219 = arith.constant 0 : i32
    %dma_wait3A_220 = tpu.memref_slice %arg4[%add3A_214, %dma_wait3A_219] : memref<32768x128xf32, #tpu.memory_space<hbm>> -> memref<256x128xf32, #tpu.memory_space<hbm>>
    %dma_wait3A_221 = arith.constant 0 : i32
    %dma_wait3A_222 = tpu.memref_slice %arg4[%add3A_214, %dma_wait3A_221] : memref<32768x128xf32, #tpu.memory_space<hbm>> -> memref<256x128xf32, #tpu.memory_space<hbm>>
    tpu.wait_dma2 semaphore(%arg11 : memref<!tpu.dma_semaphore, #tpu.memory_space<semaphore_mem>>) src(%arg7 : memref<256x128xf32, #tpu.memory_space<vmem>>) dst(%dma_wait3A_222 : memref<256x128xf32, #tpu.memory_space<hbm>>)
    %dma_start3A_223 = arith.constant 12 : i32
    %dma_start3A_224 = arith.constant 0 : i32
    %dma_start3A_225 = arith.constant 0 : i32
    %dma_start3A_226 = tpu.memref_slice %arg7[%dma_start3A_224, %dma_start3A_225] : memref<256x128xf32, #tpu.memory_space<vmem>> -> memref<64x128xf32, #tpu.memory_space<vmem>>
    %dma_start3A_227 = arith.constant 0 : i32
    %dma_start3A_228 = tpu.memref_slice %arg5[%dma_start3A_223, %dma_start3A_227] : memref<16x64xi32, #tpu.memory_space<vmem>> -> memref<1x64xi32, #tpu.memory_space<vmem>>
    %dma_start3A_229 = tpu.memref_squeeze %dma_start3A_228 : memref<1x64xi32, #tpu.memory_space<vmem>> -> memref<64xi32, #tpu.memory_space<vmem>>
    %dma_start3A_230 = arith.constant 0 : i32
    %dma_start3A_231 = arith.constant 0 : i32
    %dma_start3A_232 = tpu.memref_slice %arg2[%dma_start3A_230, %dma_start3A_231] : memref<8192x128xf32, #tpu.memory_space<hbm>> -> memref<8192x128xf32, #tpu.memory_space<hbm>>
    tpu.enqueue_indirect_dma source(%dma_start3A_232 : memref<8192x128xf32, #tpu.memory_space<hbm>>) target(%dma_start3A_226 : memref<64x128xf32, #tpu.memory_space<vmem>>) offsets(%dma_start3A_229 : memref<64xi32, #tpu.memory_space<vmem>>) semaphore(%arg9 : memref<!tpu.dma_semaphore, #tpu.memory_space<semaphore_mem>>)
    %dma_start3A_233 = arith.constant 13 : i32
    %dma_start3A_234 = arith.constant 64 : i32
    %dma_start3A_235 = arith.constant 0 : i32
    %dma_start3A_236 = tpu.memref_slice %arg7[%dma_start3A_234, %dma_start3A_235] : memref<256x128xf32, #tpu.memory_space<vmem>> -> memref<64x128xf32, #tpu.memory_space<vmem>>
    %dma_start3A_237 = arith.constant 0 : i32
    %dma_start3A_238 = tpu.memref_slice %arg5[%dma_start3A_233, %dma_start3A_237] : memref<16x64xi32, #tpu.memory_space<vmem>> -> memref<1x64xi32, #tpu.memory_space<vmem>>
    %dma_start3A_239 = tpu.memref_squeeze %dma_start3A_238 : memref<1x64xi32, #tpu.memory_space<vmem>> -> memref<64xi32, #tpu.memory_space<vmem>>
    %dma_start3A_240 = arith.constant 0 : i32
    %dma_start3A_241 = arith.constant 0 : i32
    %dma_start3A_242 = tpu.memref_slice %arg2[%dma_start3A_240, %dma_start3A_241] : memref<8192x128xf32, #tpu.memory_space<hbm>> -> memref<8192x128xf32, #tpu.memory_space<hbm>>
    tpu.enqueue_indirect_dma source(%dma_start3A_242 : memref<8192x128xf32, #tpu.memory_space<hbm>>) target(%dma_start3A_236 : memref<64x128xf32, #tpu.memory_space<vmem>>) offsets(%dma_start3A_239 : memref<64xi32, #tpu.memory_space<vmem>>) semaphore(%arg9 : memref<!tpu.dma_semaphore, #tpu.memory_space<semaphore_mem>>)
    %dma_start3A_243 = arith.constant 14 : i32
    %dma_start3A_244 = arith.constant 128 : i32
    %dma_start3A_245 = arith.constant 0 : i32
    %dma_start3A_246 = tpu.memref_slice %arg7[%dma_start3A_244, %dma_start3A_245] : memref<256x128xf32, #tpu.memory_space<vmem>> -> memref<64x128xf32, #tpu.memory_space<vmem>>
    %dma_start3A_247 = arith.constant 0 : i32
    %dma_start3A_248 = tpu.memref_slice %arg5[%dma_start3A_243, %dma_start3A_247] : memref<16x64xi32, #tpu.memory_space<vmem>> -> memref<1x64xi32, #tpu.memory_space<vmem>>
    %dma_start3A_249 = tpu.memref_squeeze %dma_start3A_248 : memref<1x64xi32, #tpu.memory_space<vmem>> -> memref<64xi32, #tpu.memory_space<vmem>>
    %dma_start3A_250 = arith.constant 0 : i32
    %dma_start3A_251 = arith.constant 0 : i32
    %dma_start3A_252 = tpu.memref_slice %arg2[%dma_start3A_250, %dma_start3A_251] : memref<8192x128xf32, #tpu.memory_space<hbm>> -> memref<8192x128xf32, #tpu.memory_space<hbm>>
    tpu.enqueue_indirect_dma source(%dma_start3A_252 : memref<8192x128xf32, #tpu.memory_space<hbm>>) target(%dma_start3A_246 : memref<64x128xf32, #tpu.memory_space<vmem>>) offsets(%dma_start3A_249 : memref<64xi32, #tpu.memory_space<vmem>>) semaphore(%arg9 : memref<!tpu.dma_semaphore, #tpu.memory_space<semaphore_mem>>)
    %dma_start3A_253 = arith.constant 15 : i32
    %dma_start3A_254 = arith.constant 192 : i32
    %dma_start3A_255 = arith.constant 0 : i32
    %dma_start3A_256 = tpu.memref_slice %arg7[%dma_start3A_254, %dma_start3A_255] : memref<256x128xf32, #tpu.memory_space<vmem>> -> memref<64x128xf32, #tpu.memory_space<vmem>>
    %dma_start3A_257 = arith.constant 0 : i32
    %dma_start3A_258 = tpu.memref_slice %arg5[%dma_start3A_253, %dma_start3A_257] : memref<16x64xi32, #tpu.memory_space<vmem>> -> memref<1x64xi32, #tpu.memory_space<vmem>>
    %dma_start3A_259 = tpu.memref_squeeze %dma_start3A_258 : memref<1x64xi32, #tpu.memory_space<vmem>> -> memref<64xi32, #tpu.memory_space<vmem>>
    %dma_start3A_260 = arith.constant 0 : i32
    %dma_start3A_261 = arith.constant 0 : i32
    %dma_start3A_262 = tpu.memref_slice %arg2[%dma_start3A_260, %dma_start3A_261] : memref<8192x128xf32, #tpu.memory_space<hbm>> -> memref<8192x128xf32, #tpu.memory_space<hbm>>
    tpu.enqueue_indirect_dma source(%dma_start3A_262 : memref<8192x128xf32, #tpu.memory_space<hbm>>) target(%dma_start3A_256 : memref<64x128xf32, #tpu.memory_space<vmem>>) offsets(%dma_start3A_259 : memref<64xi32, #tpu.memory_space<vmem>>) semaphore(%arg9 : memref<!tpu.dma_semaphore, #tpu.memory_space<semaphore_mem>>)
    %dma_wait3A_263 = arith.constant 8 : i32
    %dma_wait3A_264 = arith.constant 0 : i32
    %dma_wait3A_265 = arith.constant 0 : i32
    %dma_wait3A_266 = tpu.memref_slice %arg6[%dma_wait3A_264, %dma_wait3A_265] : memref<256x128xf32, #tpu.memory_space<vmem>> -> memref<64x128xf32, #tpu.memory_space<vmem>>
    %dma_wait3A_267 = arith.constant 0 : i32
    %dma_wait3A_268 = tpu.memref_slice %arg5[%dma_wait3A_263, %dma_wait3A_267] : memref<16x64xi32, #tpu.memory_space<vmem>> -> memref<1x64xi32, #tpu.memory_space<vmem>>
    %dma_wait3A_269 = tpu.memref_squeeze %dma_wait3A_268 : memref<1x64xi32, #tpu.memory_space<vmem>> -> memref<64xi32, #tpu.memory_space<vmem>>
    %dma_wait3A_270 = arith.constant 0 : i32
    %dma_wait3A_271 = arith.constant 0 : i32
    %dma_wait3A_272 = tpu.memref_slice %arg2[%dma_wait3A_270, %dma_wait3A_271] : memref<8192x128xf32, #tpu.memory_space<hbm>> -> memref<8192x128xf32, #tpu.memory_space<hbm>>
    tpu.wait_indirect_dma semaphore(%arg8 : memref<!tpu.dma_semaphore, #tpu.memory_space<semaphore_mem>>) src(%dma_wait3A_272 : memref<8192x128xf32, #tpu.memory_space<hbm>>) dst(%dma_wait3A_266 : memref<64x128xf32, #tpu.memory_space<vmem>>)
    %dma_wait3A_273 = arith.constant 9 : i32
    %dma_wait3A_274 = arith.constant 64 : i32
    %dma_wait3A_275 = arith.constant 0 : i32
    %dma_wait3A_276 = tpu.memref_slice %arg6[%dma_wait3A_274, %dma_wait3A_275] : memref<256x128xf32, #tpu.memory_space<vmem>> -> memref<64x128xf32, #tpu.memory_space<vmem>>
    %dma_wait3A_277 = arith.constant 0 : i32
    %dma_wait3A_278 = tpu.memref_slice %arg5[%dma_wait3A_273, %dma_wait3A_277] : memref<16x64xi32, #tpu.memory_space<vmem>> -> memref<1x64xi32, #tpu.memory_space<vmem>>
    %dma_wait3A_279 = tpu.memref_squeeze %dma_wait3A_278 : memref<1x64xi32, #tpu.memory_space<vmem>> -> memref<64xi32, #tpu.memory_space<vmem>>
    %dma_wait3A_280 = arith.constant 0 : i32
    %dma_wait3A_281 = arith.constant 0 : i32
    %dma_wait3A_282 = tpu.memref_slice %arg2[%dma_wait3A_280, %dma_wait3A_281] : memref<8192x128xf32, #tpu.memory_space<hbm>> -> memref<8192x128xf32, #tpu.memory_space<hbm>>
    tpu.wait_indirect_dma semaphore(%arg8 : memref<!tpu.dma_semaphore, #tpu.memory_space<semaphore_mem>>) src(%dma_wait3A_282 : memref<8192x128xf32, #tpu.memory_space<hbm>>) dst(%dma_wait3A_276 : memref<64x128xf32, #tpu.memory_space<vmem>>)
    %dma_wait3A_283 = arith.constant 10 : i32
    %dma_wait3A_284 = arith.constant 128 : i32
    %dma_wait3A_285 = arith.constant 0 : i32
    %dma_wait3A_286 = tpu.memref_slice %arg6[%dma_wait3A_284, %dma_wait3A_285] : memref<256x128xf32, #tpu.memory_space<vmem>> -> memref<64x128xf32, #tpu.memory_space<vmem>>
    %dma_wait3A_287 = arith.constant 0 : i32
    %dma_wait3A_288 = tpu.memref_slice %arg5[%dma_wait3A_283, %dma_wait3A_287] : memref<16x64xi32, #tpu.memory_space<vmem>> -> memref<1x64xi32, #tpu.memory_space<vmem>>
    %dma_wait3A_289 = tpu.memref_squeeze %dma_wait3A_288 : memref<1x64xi32, #tpu.memory_space<vmem>> -> memref<64xi32, #tpu.memory_space<vmem>>
    %dma_wait3A_290 = arith.constant 0 : i32
    %dma_wait3A_291 = arith.constant 0 : i32
    %dma_wait3A_292 = tpu.memref_slice %arg2[%dma_wait3A_290, %dma_wait3A_291] : memref<8192x128xf32, #tpu.memory_space<hbm>> -> memref<8192x128xf32, #tpu.memory_space<hbm>>
    tpu.wait_indirect_dma semaphore(%arg8 : memref<!tpu.dma_semaphore, #tpu.memory_space<semaphore_mem>>) src(%dma_wait3A_292 : memref<8192x128xf32, #tpu.memory_space<hbm>>) dst(%dma_wait3A_286 : memref<64x128xf32, #tpu.memory_space<vmem>>)
    %dma_wait3A_293 = arith.constant 11 : i32
    %dma_wait3A_294 = arith.constant 192 : i32
    %dma_wait3A_295 = arith.constant 0 : i32
    %dma_wait3A_296 = tpu.memref_slice %arg6[%dma_wait3A_294, %dma_wait3A_295] : memref<256x128xf32, #tpu.memory_space<vmem>> -> memref<64x128xf32, #tpu.memory_space<vmem>>
    %dma_wait3A_297 = arith.constant 0 : i32
    %dma_wait3A_298 = tpu.memref_slice %arg5[%dma_wait3A_293, %dma_wait3A_297] : memref<16x64xi32, #tpu.memory_space<vmem>> -> memref<1x64xi32, #tpu.memory_space<vmem>>
    %dma_wait3A_299 = tpu.memref_squeeze %dma_wait3A_298 : memref<1x64xi32, #tpu.memory_space<vmem>> -> memref<64xi32, #tpu.memory_space<vmem>>
    %dma_wait3A_300 = arith.constant 0 : i32
    %dma_wait3A_301 = arith.constant 0 : i32
    %dma_wait3A_302 = tpu.memref_slice %arg2[%dma_wait3A_300, %dma_wait3A_301] : memref<8192x128xf32, #tpu.memory_space<hbm>> -> memref<8192x128xf32, #tpu.memory_space<hbm>>
    tpu.wait_indirect_dma semaphore(%arg8 : memref<!tpu.dma_semaphore, #tpu.memory_space<semaphore_mem>>) src(%dma_wait3A_302 : memref<8192x128xf32, #tpu.memory_space<hbm>>) dst(%dma_wait3A_296 : memref<64x128xf32, #tpu.memory_space<vmem>>)
    %add3A_303 = arith.constant 512 : i32
    %add3A_304 = arith.addi %mul3A_2, %add3A_303 : i32
    %dma_start3A_305 = arith.constant 0 : i32
    %dma_start3A_306 = tpu.memref_slice %arg4[%add3A_304, %dma_start3A_305] : memref<32768x128xf32, #tpu.memory_space<hbm>> -> memref<256x128xf32, #tpu.memory_space<hbm>>
    %dma_start3A_307 = arith.constant 0 : i32
    %dma_start3A_308 = tpu.memref_slice %arg4[%add3A_304, %dma_start3A_307] : memref<32768x128xf32, #tpu.memory_space<hbm>> -> memref<256x128xf32, #tpu.memory_space<hbm>>
    tpu.enqueue_dma source(%arg6 : memref<256x128xf32, #tpu.memory_space<vmem>>) target(%dma_start3A_308 : memref<256x128xf32, #tpu.memory_space<hbm>>) target_semaphore(%arg10 : memref<!tpu.dma_semaphore, #tpu.memory_space<semaphore_mem>>)
    %dma_wait3A_309 = arith.constant 12 : i32
    %dma_wait3A_310 = arith.constant 0 : i32
    %dma_wait3A_311 = arith.constant 0 : i32
    %dma_wait3A_312 = tpu.memref_slice %arg7[%dma_wait3A_310, %dma_wait3A_311] : memref<256x128xf32, #tpu.memory_space<vmem>> -> memref<64x128xf32, #tpu.memory_space<vmem>>
    %dma_wait3A_313 = arith.constant 0 : i32
    %dma_wait3A_314 = tpu.memref_slice %arg5[%dma_wait3A_309, %dma_wait3A_313] : memref<16x64xi32, #tpu.memory_space<vmem>> -> memref<1x64xi32, #tpu.memory_space<vmem>>
    %dma_wait3A_315 = tpu.memref_squeeze %dma_wait3A_314 : memref<1x64xi32, #tpu.memory_space<vmem>> -> memref<64xi32, #tpu.memory_space<vmem>>
    %dma_wait3A_316 = arith.constant 0 : i32
    %dma_wait3A_317 = arith.constant 0 : i32
    %dma_wait3A_318 = tpu.memref_slice %arg2[%dma_wait3A_316, %dma_wait3A_317] : memref<8192x128xf32, #tpu.memory_space<hbm>> -> memref<8192x128xf32, #tpu.memory_space<hbm>>
    tpu.wait_indirect_dma semaphore(%arg9 : memref<!tpu.dma_semaphore, #tpu.memory_space<semaphore_mem>>) src(%dma_wait3A_318 : memref<8192x128xf32, #tpu.memory_space<hbm>>) dst(%dma_wait3A_312 : memref<64x128xf32, #tpu.memory_space<vmem>>)
    %dma_wait3A_319 = arith.constant 13 : i32
    %dma_wait3A_320 = arith.constant 64 : i32
    %dma_wait3A_321 = arith.constant 0 : i32
    %dma_wait3A_322 = tpu.memref_slice %arg7[%dma_wait3A_320, %dma_wait3A_321] : memref<256x128xf32, #tpu.memory_space<vmem>> -> memref<64x128xf32, #tpu.memory_space<vmem>>
    %dma_wait3A_323 = arith.constant 0 : i32
    %dma_wait3A_324 = tpu.memref_slice %arg5[%dma_wait3A_319, %dma_wait3A_323] : memref<16x64xi32, #tpu.memory_space<vmem>> -> memref<1x64xi32, #tpu.memory_space<vmem>>
    %dma_wait3A_325 = tpu.memref_squeeze %dma_wait3A_324 : memref<1x64xi32, #tpu.memory_space<vmem>> -> memref<64xi32, #tpu.memory_space<vmem>>
    %dma_wait3A_326 = arith.constant 0 : i32
    %dma_wait3A_327 = arith.constant 0 : i32
    %dma_wait3A_328 = tpu.memref_slice %arg2[%dma_wait3A_326, %dma_wait3A_327] : memref<8192x128xf32, #tpu.memory_space<hbm>> -> memref<8192x128xf32, #tpu.memory_space<hbm>>
    tpu.wait_indirect_dma semaphore(%arg9 : memref<!tpu.dma_semaphore, #tpu.memory_space<semaphore_mem>>) src(%dma_wait3A_328 : memref<8192x128xf32, #tpu.memory_space<hbm>>) dst(%dma_wait3A_322 : memref<64x128xf32, #tpu.memory_space<vmem>>)
    %dma_wait3A_329 = arith.constant 14 : i32
    %dma_wait3A_330 = arith.constant 128 : i32
    %dma_wait3A_331 = arith.constant 0 : i32
    %dma_wait3A_332 = tpu.memref_slice %arg7[%dma_wait3A_330, %dma_wait3A_331] : memref<256x128xf32, #tpu.memory_space<vmem>> -> memref<64x128xf32, #tpu.memory_space<vmem>>
    %dma_wait3A_333 = arith.constant 0 : i32
    %dma_wait3A_334 = tpu.memref_slice %arg5[%dma_wait3A_329, %dma_wait3A_333] : memref<16x64xi32, #tpu.memory_space<vmem>> -> memref<1x64xi32, #tpu.memory_space<vmem>>
    %dma_wait3A_335 = tpu.memref_squeeze %dma_wait3A_334 : memref<1x64xi32, #tpu.memory_space<vmem>> -> memref<64xi32, #tpu.memory_space<vmem>>
    %dma_wait3A_336 = arith.constant 0 : i32
    %dma_wait3A_337 = arith.constant 0 : i32
    %dma_wait3A_338 = tpu.memref_slice %arg2[%dma_wait3A_336, %dma_wait3A_337] : memref<8192x128xf32, #tpu.memory_space<hbm>> -> memref<8192x128xf32, #tpu.memory_space<hbm>>
    tpu.wait_indirect_dma semaphore(%arg9 : memref<!tpu.dma_semaphore, #tpu.memory_space<semaphore_mem>>) src(%dma_wait3A_338 : memref<8192x128xf32, #tpu.memory_space<hbm>>) dst(%dma_wait3A_332 : memref<64x128xf32, #tpu.memory_space<vmem>>)
    %dma_wait3A_339 = arith.constant 15 : i32
    %dma_wait3A_340 = arith.constant 192 : i32
    %dma_wait3A_341 = arith.constant 0 : i32
    %dma_wait3A_342 = tpu.memref_slice %arg7[%dma_wait3A_340, %dma_wait3A_341] : memref<256x128xf32, #tpu.memory_space<vmem>> -> memref<64x128xf32, #tpu.memory_space<vmem>>
    %dma_wait3A_343 = arith.constant 0 : i32
    %dma_wait3A_344 = tpu.memref_slice %arg5[%dma_wait3A_339, %dma_wait3A_343] : memref<16x64xi32, #tpu.memory_space<vmem>> -> memref<1x64xi32, #tpu.memory_space<vmem>>
    %dma_wait3A_345 = tpu.memref_squeeze %dma_wait3A_344 : memref<1x64xi32, #tpu.memory_space<vmem>> -> memref<64xi32, #tpu.memory_space<vmem>>
    %dma_wait3A_346 = arith.constant 0 : i32
    %dma_wait3A_347 = arith.constant 0 : i32
    %dma_wait3A_348 = tpu.memref_slice %arg2[%dma_wait3A_346, %dma_wait3A_347] : memref<8192x128xf32, #tpu.memory_space<hbm>> -> memref<8192x128xf32, #tpu.memory_space<hbm>>
    tpu.wait_indirect_dma semaphore(%arg9 : memref<!tpu.dma_semaphore, #tpu.memory_space<semaphore_mem>>) src(%dma_wait3A_348 : memref<8192x128xf32, #tpu.memory_space<hbm>>) dst(%dma_wait3A_342 : memref<64x128xf32, #tpu.memory_space<vmem>>)
    %add3A_349 = arith.constant 768 : i32
    %add3A_350 = arith.addi %mul3A_2, %add3A_349 : i32
    %dma_start3A_351 = arith.constant 0 : i32
    %dma_start3A_352 = tpu.memref_slice %arg4[%add3A_350, %dma_start3A_351] : memref<32768x128xf32, #tpu.memory_space<hbm>> -> memref<256x128xf32, #tpu.memory_space<hbm>>
    %dma_start3A_353 = arith.constant 0 : i32
    %dma_start3A_354 = tpu.memref_slice %arg4[%add3A_350, %dma_start3A_353] : memref<32768x128xf32, #tpu.memory_space<hbm>> -> memref<256x128xf32, #tpu.memory_space<hbm>>
    tpu.enqueue_dma source(%arg7 : memref<256x128xf32, #tpu.memory_space<vmem>>) target(%dma_start3A_354 : memref<256x128xf32, #tpu.memory_space<hbm>>) target_semaphore(%arg11 : memref<!tpu.dma_semaphore, #tpu.memory_space<semaphore_mem>>)
    %dma_wait3A_355 = arith.constant 0 : i32
    %dma_wait3A_356 = tpu.memref_slice %arg4[%add3A_304, %dma_wait3A_355] : memref<32768x128xf32, #tpu.memory_space<hbm>> -> memref<256x128xf32, #tpu.memory_space<hbm>>
    %dma_wait3A_357 = arith.constant 0 : i32
    %dma_wait3A_358 = tpu.memref_slice %arg4[%add3A_304, %dma_wait3A_357] : memref<32768x128xf32, #tpu.memory_space<hbm>> -> memref<256x128xf32, #tpu.memory_space<hbm>>
    tpu.wait_dma2 semaphore(%arg10 : memref<!tpu.dma_semaphore, #tpu.memory_space<semaphore_mem>>) src(%arg6 : memref<256x128xf32, #tpu.memory_space<vmem>>) dst(%dma_wait3A_358 : memref<256x128xf32, #tpu.memory_space<hbm>>)
    %dma_wait3A_359 = arith.constant 0 : i32
    %dma_wait3A_360 = tpu.memref_slice %arg4[%add3A_350, %dma_wait3A_359] : memref<32768x128xf32, #tpu.memory_space<hbm>> -> memref<256x128xf32, #tpu.memory_space<hbm>>
    %dma_wait3A_361 = arith.constant 0 : i32
    %dma_wait3A_362 = tpu.memref_slice %arg4[%add3A_350, %dma_wait3A_361] : memref<32768x128xf32, #tpu.memory_space<hbm>> -> memref<256x128xf32, #tpu.memory_space<hbm>>
    tpu.wait_dma2 semaphore(%arg11 : memref<!tpu.dma_semaphore, #tpu.memory_space<semaphore_mem>>) src(%arg7 : memref<256x128xf32, #tpu.memory_space<vmem>>) dst(%dma_wait3A_362 : memref<256x128xf32, #tpu.memory_space<hbm>>)
    return
  }
}

module attributes {stable_mosaic.version = 14 : i64} {
  func.func @_vq_body(%arg0: i32, %arg1: memref<2048x64xf32, #tpu.memory_space<vmem>>, %arg2: memref<1024x64xf32, #tpu.memory_space<vmem>>, %arg3: memref<1x1024xf32, #tpu.memory_space<vmem>>, %arg4: memref<2048x1024xf32, #tpu.memory_space<vmem>>, %arg5: memref<2048x1xi32, #tpu.memory_space<vmem>>, %arg6: memref<1x1xf32, #tpu.memory_space<vmem>>) attributes {dimension_semantics = [#tpu.dimension_semantics<arbitrary>], iteration_bounds = array<i64: 16>, scalar_prefetch = 0 : i64, scratch_operands = 0 : i64, tpu.core_type = #tpu.core_type<tc>, window_params = [{transform_indices = @transform_0, window_bounds = array<i64: 2048, 64>}, {pipeline_mode = #tpu.pipeline_mode<synchronous>, transform_indices = @transform_1, window_bounds = array<i64: 1024, 64>}, {pipeline_mode = #tpu.pipeline_mode<synchronous>, transform_indices = @transform_2, window_bounds = array<i64: 1, 1024>}, {transform_indices = @transform_3, window_bounds = array<i64: 2048, 1024>}, {transform_indices = @transform_4, window_bounds = array<i64: 2048, 1>}, {pipeline_mode = #tpu.pipeline_mode<synchronous>, transform_indices = @transform_5, window_bounds = array<i64: 1, 1>}]} {
    %get3A = arith.constant 0 : index
    %get3A_0 = arith.constant 0 : index
    %get3A_1 = vector.load %arg1[%get3A, %get3A_0] : memref<2048x64xf32, #tpu.memory_space<vmem>>, vector<2048x64xf32>
    %get3A_2 = arith.constant 0 : index
    %get3A_3 = arith.constant 0 : index
    %get3A_4 = vector.load %arg2[%get3A_2, %get3A_3] : memref<1024x64xf32, #tpu.memory_space<vmem>>, vector<1024x64xf32>
    %mul3A = arith.mulf %get3A_1, %get3A_1 : vector<2048x64xf32>
    %reduce_sum3A = arith.constant dense<0.000000e+00> : vector<2048xf32>
    %reduce_sum3A_5 = vector.multi_reduction <add>, %mul3A, %reduce_sum3A [1] : vector<2048x64xf32> to vector<2048xf32>
    %broadcast_in_dim3A = vector.shape_cast %reduce_sum3A_5 : vector<2048xf32> to vector<2048x1xf32>
    %mul3A_6 = arith.mulf %get3A_4, %get3A_4 : vector<1024x64xf32>
    %reduce_sum3A_7 = arith.constant dense<0.000000e+00> : vector<1024xf32>
    %reduce_sum3A_8 = vector.multi_reduction <add>, %mul3A_6, %reduce_sum3A_7 [1] : vector<1024x64xf32> to vector<1024xf32>
    %dot_general3A = arith.constant dense<0.000000e+00> : vector<2048x1024xf32>
    %dot_general3A_9 = tpu.matmul %get3A_1, %get3A_4, %dot_general3A {dimension_numbers = #tpu.dot_dimension_numbers<[1], [1], [0], [0], [0, 0, 1, 0], [], []>, transpose_lhs_hint = false} : vector<2048x64xf32>, vector<1024x64xf32>, vector<2048x1024xf32> -> vector<2048x1024xf32>
    %broadcast_in_dim3A_10 = vector.shape_cast %reduce_sum3A_8 : vector<1024xf32> to vector<1x1024xf32>
    %add3A = vector.broadcast %broadcast_in_dim3A : vector<2048x1xf32> to vector<2048x1024xf32>
    %add3A_11 = vector.broadcast %broadcast_in_dim3A_10 : vector<1x1024xf32> to vector<2048x1024xf32>
    %add3A_12 = arith.addf %add3A, %add3A_11 : vector<2048x1024xf32>
    %mul3A_13 = arith.constant 2.000000e+00 : f32
    %mul3A_14 = vector.broadcast %mul3A_13 : f32 to vector<2048x1024xf32>
    %mul3A_15 = arith.mulf %mul3A_14, %dot_general3A_9 : vector<2048x1024xf32>
    %sub3A = arith.subf %add3A_12, %mul3A_15 : vector<2048x1024xf32>
    %reduce_min3A = arith.constant dense<0x7F800000> : vector<2048xf32>
    %reduce_min3A_16 = vector.multi_reduction <minimumf>, %sub3A, %reduce_min3A [1] : vector<2048x1024xf32> to vector<2048xf32>
    %broadcast_in_dim3A_17 = vector.shape_cast %reduce_min3A_16 : vector<2048xf32> to vector<2048x1xf32>
    %get3A_18 = arith.constant 0 : index
    %get3A_19 = arith.constant 0 : index
    %get3A_20 = vector.load %arg3[%get3A_18, %get3A_19] : memref<1x1024xf32, #tpu.memory_space<vmem>>, vector<1x1024xf32>
    %eq3A = vector.broadcast %broadcast_in_dim3A_17 : vector<2048x1xf32> to vector<2048x1024xf32>
    %eq3A_21 = arith.cmpf oeq, %sub3A, %eq3A : vector<2048x1024xf32>
    %jit3A = arith.constant 1.024000e+03 : f32
    %broadcast_in_dim3A_22 = vector.shape_cast %get3A_20 : vector<1x1024xf32> to vector<1x1024xf32>
    %broadcast_in_dim3A_23 = vector.broadcast %broadcast_in_dim3A_22 : vector<1x1024xf32> to vector<2048x1024xf32>
    %broadcast_in_dim3A_24 = vector.broadcast %jit3A : f32 to vector<2048x1024xf32>
    %select_n3A = arith.select %eq3A_21, %broadcast_in_dim3A_23, %broadcast_in_dim3A_24 : vector<2048x1024xi1>, vector<2048x1024xf32>
    %reduce_min3A_25 = arith.constant dense<0x7F800000> : vector<2048xf32>
    %reduce_min3A_26 = vector.multi_reduction <minimumf>, %select_n3A, %reduce_min3A_25 [1] : vector<2048x1024xf32> to vector<2048xf32>
    %broadcast_in_dim3A_27 = vector.shape_cast %reduce_min3A_26 : vector<2048xf32> to vector<2048x1xf32>
    %eq3A_28 = vector.broadcast %get3A_20 : vector<1x1024xf32> to vector<2048x1024xf32>
    %eq3A_29 = vector.broadcast %broadcast_in_dim3A_27 : vector<2048x1xf32> to vector<2048x1024xf32>
    %eq3A_30 = arith.cmpf oeq, %eq3A_28, %eq3A_29 : vector<2048x1024xf32>
    %convert_element_type3A = arith.extui %eq3A_30 : vector<2048x1024xi1> to vector<2048x1024xi32>
    %convert_element_type3A_31 = arith.sitofp %convert_element_type3A : vector<2048x1024xi32> to vector<2048x1024xf32>
    %swap3A = arith.constant 0 : index
    %swap3A_32 = arith.constant 0 : index
    %swap3A_33 = vector.load %arg4[%swap3A, %swap3A_32] : memref<2048x1024xf32, #tpu.memory_space<vmem>>, vector<2048x1024xf32>
    tpu.vector_store %arg4[%swap3A, %swap3A_32], %convert_element_type3A_31 {strides = array<i32>} : memref<2048x1024xf32, #tpu.memory_space<vmem>>, vector<2048x1024xf32>,
    %convert_element_type3A_34 = arith.fptosi %broadcast_in_dim3A_27 : vector<2048x1xf32> to vector<2048x1xi32>
    %swap3A_35 = arith.constant 0 : index
    %swap3A_36 = arith.constant 0 : index
    %swap3A_37 = vector.load %arg5[%swap3A_35, %swap3A_36] : memref<2048x1xi32, #tpu.memory_space<vmem>>, vector<2048x1xi32>
    tpu.vector_store %arg5[%swap3A_35, %swap3A_36], %convert_element_type3A_34 {strides = array<i32>} : memref<2048x1xi32, #tpu.memory_space<vmem>>, vector<2048x1xi32>,
    %reduce_sum3A_38 = vector.shape_cast %broadcast_in_dim3A_17 : vector<2048x1xf32> to vector<1x2048x1xf32>
    %reduce_sum3A_39 = arith.constant dense<0.000000e+00> : vector<1xf32>
    %reduce_sum3A_40 = vector.multi_reduction <add>, %reduce_sum3A_38, %reduce_sum3A_39 [1, 2] : vector<1x2048x1xf32> to vector<1xf32>
    %reduce_sum3A_41 = vector.shape_cast %reduce_sum3A_40 : vector<1xf32> to vector<1x1x1xf32>
    %reduce_sum3A_42 = vector.extract %reduce_sum3A_41[0, 0, 0] : f32 from vector<1x1x1xf32>
    %reshape3A = vector.broadcast %reduce_sum3A_42 : f32 to vector<1x1xf32>
    %eq3A_43 = arith.constant 0 : i32
    %eq3A_44 = arith.cmpi eq, %arg0, %eq3A_43 : i32
    %convert_element_type3A_45 = arith.extui %eq3A_44 : i1 to i32
    %cond3A = arith.constant 0 : i32
    %cond3A_46 = arith.cmpi ne, %convert_element_type3A_45, %cond3A : i32
    scf.if %cond3A_46 {
      %broadcast_in_dim3A_54 = arith.constant 0.000000e+00 : f32
      %broadcast_in_dim3A_55 = vector.broadcast %broadcast_in_dim3A_54 : f32 to vector<1x1xf32>
      %swap3A_56 = arith.constant 0 : index
      %swap3A_57 = arith.constant 0 : index
      %swap3A_58 = vector.load %arg6[%swap3A_56, %swap3A_57] : memref<1x1xf32, #tpu.memory_space<vmem>>, vector<1x1xf32>
      tpu.vector_store %arg6[%swap3A_56, %swap3A_57], %broadcast_in_dim3A_55 {strides = array<i32>} : memref<1x1xf32, #tpu.memory_space<vmem>>, vector<1x1xf32>,
    } else {
    }
    %get3A_47 = arith.constant 0 : index
    %get3A_48 = arith.constant 0 : index
    %get3A_49 = vector.load %arg6[%get3A_47, %get3A_48] : memref<1x1xf32, #tpu.memory_space<vmem>>, vector<1x1xf32>
    %add3A_50 = arith.addf %get3A_49, %reshape3A : vector<1x1xf32>
    %swap3A_51 = arith.constant 0 : index
    %swap3A_52 = arith.constant 0 : index
    %swap3A_53 = vector.load %arg6[%swap3A_51, %swap3A_52] : memref<1x1xf32, #tpu.memory_space<vmem>>, vector<1x1xf32>
    tpu.vector_store %arg6[%swap3A_51, %swap3A_52], %add3A_50 {strides = array<i32>} : memref<1x1xf32, #tpu.memory_space<vmem>>, vector<1x1xf32>,
    return
  }
  func.func @transform_0(%arg0: i32) -> (i32, i32) {
    %c0_i32 = arith.constant 0 : i32
    %c0_i32_0 = arith.constant 0 : i32
    return %arg0, %c0_i32 : i32, i32
  }
  func.func @transform_1(%arg0: i32) -> (i32, i32) {
    %c0_i32 = arith.constant 0 : i32
    %c0_i32_0 = arith.constant 0 : i32
    %c0_i32_1 = arith.constant 0 : i32
    return %c0_i32, %c0_i32_0 : i32, i32
  }
  func.func @transform_2(%arg0: i32) -> (i32, i32) {
    %c0_i32 = arith.constant 0 : i32
    %c0_i32_0 = arith.constant 0 : i32
    %c0_i32_1 = arith.constant 0 : i32
    return %c0_i32, %c0_i32_0 : i32, i32
  }
  func.func @transform_3(%arg0: i32) -> (i32, i32) {
    %c0_i32 = arith.constant 0 : i32
    %c0_i32_0 = arith.constant 0 : i32
    return %arg0, %c0_i32 : i32, i32
  }
  func.func @transform_4(%arg0: i32) -> (i32, i32) {
    %c0_i32 = arith.constant 0 : i32
    %c0_i32_0 = arith.constant 0 : i32
    return %arg0, %c0_i32 : i32, i32
  }
  func.func @transform_5(%arg0: i32) -> (i32, i32) {
    %c0_i32 = arith.constant 0 : i32
    %c0_i32_0 = arith.constant 0 : i32
    %c0_i32_1 = arith.constant 0 : i32
    return %c0_i32, %c0_i32_0 : i32, i32
  }
}

</mosaic_0001>

<sc_bundles>
// kernel: kernel.4.cloned.1.call-start
scs
__scs_entry_jumppad:
0x0: {  	(pc) =	sbr.rel $0x88, $3  }
0x1: {  	(tag) =	ssettag $0x0;
	lr =	simm.s32 $0x1  }
0x2: {  	[smem:$0x3F9F] =	sst lr;
	_ =	strace $0xD0000000  }
0x3: {  	_ = 	snop  }
0x4: {  	_ = 	snop  }
0x5: {  	_ = 	snop  }
0x6: {  	_ = 	snop  }
0x7: {  	_ = 	snop  }
__scs_overlays_trampoline_lowered:
0x8: {  	[smem:$0x3FAE] =	sst s0  }
0x9: {  	[smem:$0x3FAF] =	sst s1  }
0xa: {  	[smem:$0x3FB0] =	sst s2  }
0xb: {  	[smem:$0x3FB1] =	sst s3  }
0xc: {  	[smem:$0x3FB2] =	sst s4  }
0xd: {  	[smem:$0x3FB3] =	sst s5  }
0xe: {  	[smem:$0x3FB4] =	sst s6  }
0xf: {  	[smem:$0x3FB5] =	sst s7  }
0x10: {  	[smem:$0x3FB6] =	sst s8  }
0x11: {  	[smem:$0x3FB7] =	sst s9;
	s0 =	simm.s32 @!p0 $0x0  }
0x12: {  	s1 =	sld [smem:$0x3F9D];
	s0 =	simm.s32 @p0 $0x1  }
0x13: {  	[smem:$0x3FB8] =	sst s0;
	s0 =	simm.s32 @!p1 $0x0  }
0x14: {  	s2 =	sld [smem:$0x3F9C];
	s0 =	simm.s32 @p1 $0x1  }
0x15: {  	[smem:$0x3FB9] =	sst s0;
	s0 =	simm.s32 @!p2 $0x0  }
0x16: {  	s3 =	sld [smem:$0x3FDB];
	s0 =	simm.s32 @p2 $0x1  }
0x17: {  	s4 =	simm.s32 $0x1BF5;
	[smem:$0x3FBB] =	sst s0  }
0x18: {  	s0 =	sld [smem:$0x3F9E];
	_ =	swait.ge [sflag:s4], $0x0  }
0x19: {  	s7 =	sld [smem:$0x3F9F]  }
0x1a: {  	s8 =	sadd.s32 $0xFFFFE003, lr  }
0x1b: {  	s9 =	sadd.s32 $0xFFFFFEF7, lr;
	s5 =	simm.s32 $0xFFFFFFFF;
	p2 =	slt.u32 s8, $0xFFFFF086  }
0x1c: {  	p1 =	slt.u32 s9, $0xF7A;
	s5 =	simm.s32 @!p2 $0x0  }
0x1d: {  	s5 =	simm.s32 @p1 $0x1;
	p0 =	seq.s32 s7, s2  }
0x1e: {  	s7 =	smul.u32 @!p0 $0xF7A, s2;
	p2 =	seq.s32 @!p0 s5, $0x0  }
0x1f: {  	s9 =	smul.u32 $0xF7A, s1;
	s8 =	simm.s32 @!p0 $0x1BF5;
	p2 =	por !p2, p0  }
0x20: {  	[sflag:s8] =	ssyncset.s32 @!p0 $0xFFFFF086;
	s6 =	sadd.s32 @!p0 s3, s7;
	s7 =	simm.s32 @!p0 $0x108  }
0x21: {  	s3 =	sadd.s32 s3, s9;
	s6 =	sadd.s32 @!p0 $0x88, s6;
	s7 =	simm.s32 @p2 $0x1082  }
0x22: {  	[simem:s7], [sflag:s8] =	dma.local @!p0 [hbm:s6], $0xF7A  }
0x23: {  	s9 =	sor.u32 $0xD0000000, s2;
	s6 =	simm.s32 $0x108;
	_ =	swait.ge @!p0 [sflag:s8], $0x0  }
0x24: {  	s3 =	sadd.s32 $0x88, s3;
	s6 =	simm.s32 @!p1 $0x1082;
	[sflag:s4] =	ssyncset.s32 $0xFFFFF086  }
0x25: {  	[simem:s6], [sflag:s4] =	dma.local [hbm:s3], $0xF7A  }
0x26: {  	[smem:$0x3F9F] =	sst s1;
	(tag) =	ssettag s2;
	_ =	strace s9  }
0x27: {  	s1 =	sld [smem:$0x3FAF]  }
0x28: {  	s2 =	sld [smem:$0x3FB0]  }
0x29: {  	s4 =	sld [smem:$0x3FB2]  }
0x2a: {  	p0 =	seq.s32 s5, $0x0;
	s5 =	sld [smem:$0x3FB3]  }
0x2b: {  	s6 =	sld [smem:$0x3FB4]  }
0x2c: {  	s7 =	sld [smem:$0x3FB5]  }
0x2d: {  	s3 =	simm.s32 $0x108;
	s8 =	sld [smem:$0x3FB6]  }
0x2e: {  	s3 =	simm.s32 @!p0 $0x1082;
	s9 =	sld [smem:$0x3FB7]  }
0x2f: {  	lr =	sadd.s32 s0, s3;
	s0 =	sld [smem:$0x3FAE]  }
0x30: {  	s3 =	sld [smem:$0x3FB1]  }
0x31: {  	[smem:$0x3FBA] =	sst s10  }
0x32: {  	s10 =	sld [smem:$0x3FB8];
	_ =	sdelay $0x3  }
0x33: {  	p0 =	seq.s32 s10, $0x1;
	s10 =	sld [smem:$0x3FBA];
	_ =	sdelay $0x3  }
0x34: {  	[smem:$0x3FBA] =	sst s10  }
0x35: {  	s10 =	sld [smem:$0x3FB9];
	_ =	sdelay $0x3  }
0x36: {  	p1 =	seq.s32 s10, $0x1;
	s10 =	sld [smem:$0x3FBA];
	_ =	sdelay $0x3  }
0x37: {  	[smem:$0x3FBA] =	sst s10  }
0x38: {  	s10 =	sld [smem:$0x3FBB]  }
0x39: {  	_ = 	snop;
	(pc) =	sbr.ind lr, $3  }
0x3a: {  	_ = 	snop  }
0x3b: {  	_ = 	snop  }
0x3c: {  	p2 =	seq.s32 s10, $0x1;
	s10 =	sld [smem:$0x3FBA]  }
0x3d: {  	_ =	shalt  }
0x3e: {  	_ =	shalt  }
0x3f: {  	_ =	shalt  }
0x40: {  	_ =	shalt  }
0x41: {  	_ =	shalt  }
0x42: {  	_ =	shalt  }
0x43: {  	_ =	shalt  }
0x44: {  	_ =	shalt  }
0x45: {  	_ =	shalt  }
0x46: {  	_ =	shalt  }
0x47: {  	_ =	shalt  }
0x48: {  	_ =	shalt  }
0x49: {  	_ =	shalt  }
0x4a: {  	_ =	shalt  }
0x4b: {  	_ =	shalt  }
0x4c: {  	_ =	shalt  }
0x4d: {  	_ =	shalt  }
0x4e: {  	_ =	shalt  }
0x4f: {  	_ =	shalt  }
0x50: {  	_ =	shalt  }
0x51: {  	_ =	shalt  }
0x52: {  	_ =	shalt  }
0x53: {  	_ =	shalt  }
0x54: {  	_ =	shalt  }
0x55: {  	_ =	shalt  }
0x56: {  	_ =	shalt  }
0x57: {  	_ =	shalt  }
0x58: {  	_ =	shalt  }
0x59: {  	_ =	shalt  }
0x5a: {  	_ =	shalt  }
0x5b: {  	_ =	shalt  }
0x5c: {  	_ =	shalt  }
0x5d: {  	_ =	shalt  }
0x5e: {  	_ =	shalt  }
0x5f: {  	_ =	shalt  }
0x60: {  	_ =	shalt  }
0x61: {  	_ =	shalt  }
0x62: {  	_ =	shalt  }
0x63: {  	_ =	shalt  }
0x64: {  	_ =	shalt  }
0x65: {  	_ =	shalt  }
0x66: {  	_ =	shalt  }
0x67: {  	_ =	shalt  }
0x68: {  	_ =	shalt  }
0x69: {  	_ =	shalt  }
0x6a: {  	_ =	shalt  }
0x6b: {  	_ =	shalt  }
0x6c: {  	_ =	shalt  }
0x6d: {  	_ =	shalt  }
0x6e: {  	_ =	shalt  }
0x6f: {  	_ =	shalt  }
0x70: {  	_ =	shalt  }
0x71: {  	_ =	shalt  }
0x72: {  	_ =	shalt  }
0x73: {  	_ =	shalt  }
0x74: {  	_ =	shalt  }
0x75: {  	_ =	shalt  }
0x76: {  	_ =	shalt  }
0x77: {  	_ =	shalt  }
0x78: {  	_ =	shalt  }
0x79: {  	_ =	shalt  }
0x7a: {  	_ =	shalt  }
0x7b: {  	_ =	shalt  }
0x7c: {  	_ =	shalt  }
0x7d: {  	_ =	shalt  }
0x7e: {  	_ =	shalt  }
0x7f: {  	_ =	shalt  }
0x80: {  	_ =	shalt  }
0x81: {  	_ =	shalt  }
0x82: {  	_ =	shalt  }
0x83: {  	_ =	shalt  }
0x84: {  	_ =	shalt  }
0x85: {  	_ =	shalt  }
0x86: {  	_ =	shalt  }
0x87: {  	_ =	shalt  }
.Lfunc_end0:
.L_simem_size_0:
called_computation_lowered:
.L_overlay_start_0:
0x88: {  	s2 =	sld [smem:$0x3FD9]  }
0x89: {  	s3 =	sld [smem:$0x3FFE];
	_ =	sdelay $0x1  }
0x8a: {  	s1 =	srdreg.scid  }
0x8b: {  	s0 =	sand.u32 $0x1, s1  }
0x8c: {  	s14 =	sshll.u32 s0, $0xA;
	s2 =	sadd.s32 s3, s2  }
0x8d: {  	s2 =	sadd.s32 s2, s14  }
0x8e: {  	[smem:$0x3FC6] =	sst s2  }
0x8f: {  	_ = 	snop  }
0x90: {  	s2 =	sld [smem:$0x3FD0];
	_ =	sdelay $0x2  }
0x91: {  	s15 =	simm.s32 $0xA;
	s4 =	simm.s32 $0x10  }
0x92: {  	[smem:s4], [sflag:s15] =	dma.local [hbm:s2], $0x1  }
0x93: {  	_ =	swait.eq [sflag:s15], $0x1  }
0x94: {  	[sflag:s15] =	ssyncset.done $0x0  }
0x95: {  	[sflag:s15] =	ssyncadd.s32 $0xFFFFFFFF  }
0x96: {  	s16 =	sld [smem:$0x11];
	(tm) =	ssettm $0x1  }
0x97: {  	s17 =	sld [smem:$0x3FFB];
	_ =	sdelay $0x3  }
0x98: {  	_ =	strace s17  }
0x99: {  	s3 =	sld [smem:$0x3FFC];
	_ =	sdelay $0x3  }
0x9a: {  	_ =	strace s3  }
0x9b: {  	s3 =	sld [smem:$0x3FFD];
	_ =	sdelay $0x3  }
0x9c: {  	_ =	strace s3  }
0x9d: {  	_ =	strace $0x8FFFFFFF  }
0x9e: {  	s18 =	sld [smem:$0x3FDB];
	_ =	sdelay $0x1  }
0x9f: {  	s19 =	simm.s32 $_scs_section_size  }
0xa0: {  	s5 =	simm.s32 $_size__tile_overlayer_lowered;
	s6 =	simm.s32 $_tile_overlayer_lowered  }
0xa1: {  	s22 =	simm.s32 $0x1BFF;
	s21 =	sshll.u32 s6, $0x1;
	s3 =	sadd.s32 s19, s18  }
0xa2: {  	s7 =	simm.s32 $0x0;
	s20 =	sshll.u32 s5, $0x1;
	s5 =	sadd.s32 s21, s3  }
0xa3: {  	[timem:s7], [sflag:s22] =	dma.local [hbm:s5], s20  }
0xa4: {  	_ =	swait.ge [sflag:s22], s20  }
0xa5: {  	s4 =	ssub.s32 $0x0, s20;
	[sflag:s22] =	ssyncset.done $0x0  }
0xa6: {  	[sflag:s22] =	ssyncadd.s32 s4;
	_ =	sdelay $0x1  }
0xa7: {  	s23 =	simm.s32 $0x1B8B  }
0xa8: {  	_ =	swait.ge [sflag:s23], $0x1  }
0xa9: {  	[sflag:s23] =	ssyncset.done $0x0  }
0xaa: {  	s25 =	simm.s32 $0x1B8E;
	s24 =	sld [smem:$0x3FFE];
	[sflag:s23] =	ssyncadd.s32 $0xFFFFFFFF  }
0xab: {  	s26 =	simm.s32 $execute0_lowered;
	[smem:$0x3FD2] =	sst s25  }
0xac: {  	s5 =	sshll.u32 s26, $0x1;
	_ =	strace $0x80000046;
	[dreg:$0x1] =	wrdreg $0xFFFFFFFF  }
0xad: {  	s28 =	simm.s32 $_size_execute0_lowered;
	s3 =	sadd.s32 s3, s5;
	[dreg:$0x0] =	wrdreg $0x0  }
0xae: {  	s5 =	sshll.u32 s28, $0x1;
	[dreg:$0x2] =	wrdreg s3  }
0xaf: {  	[dreg:$0x3] =	wrdreg s5  }
0xb0: {  	[dreg:$0x4] =	wrdreg $0xC0  }
0xb1: {  	_ =	task [dreg:s7], $0x5FFFF  }
0xb2: {  	[dreg:$0x1] =	wrdreg $0xFFFFFFFF  }
0xb3: {  	[dreg:$0x0] =	wrdreg $0x60  }
0xb4: {  	[dreg:$0x2] =	wrdreg s24  }
0xb5: {  	[dreg:$0x3] =	wrdreg s16  }
0xb6: {  	[dreg:$0x4] =	wrdreg $0x9  }
0xb7: {  	_ =	task.clear_ibuf [dreg:s7], $0x5FFFF;
	_ =	strace $0x90000046  }
0xb8: {  	s29 =	simm.s32 $0x9;
	_ =	strace $0x80000048  }
0xb9: {  	_ =	swait.ge [sflag:s29], $0x1  }
0xba: {  	[sflag:s29] =	ssyncadd.s32 $0xFFFFFFFF  }
0xbb: {  	_ =	strace $0x90000048  }
0xbc: {  	_ =	sfence  }
0xbd: {  	s30 =	sld [smem:$0x0];
	_ =	sdelay $0x2  }
0xbe: {  	s31 =	sshll.u32 s1, $0xD;
	s1 =	sshrl.u32 s1, $0x2  }
0xbf: {  	s3 =	sand.u32 $0x4000, s31;
	s1 =	sadd.s32 s1, s30  }
0xc0: {  	s0 =	sor.u32 s3, s0;
	s1 =	sshll.u32 s1, $0x11  }
0xc1: {  	s0 =	sor.u32 s1, s0  }
0xc2: {  	s0 =	sadd.s32 $0x8F2B, s0  }
0xc3: {  	[sflag:s0] =	ssyncadd.remote.s32 $0x1  }
0xc4: {  	_ =	sfence.sel $0xFFFF  }
0xc5: {  	[dreg:$0x0] =	wrdreg $0xFFFFFFFF;
	(pc) =	sbr.abs _section_cstart, $3  }
0xc6: {  	[dreg:$0x1] =	wrdreg $0xFFFFFFFF  }
0xc7: {  	_ =	task.clear_ibuf [dreg:s7], $0x2FFFF;
	_ =	strace $0x9FFFFFFF  }
0xc8: {  	(tm) =	ssettm $0x7FFFFFFF  }
0xc9: {  	_ =	shalt  }
tec
execute0_lowered:
.L_overlay_start_1:
0x0: {  	(tag) =	ssettag $0x1  }
0x1: {  	s0 =	srdreg.scid  }
0x2: {  	s2 =	stileid.u32;
	s1 =	rddreg [dreg:$0x0]  }
0x3: {  	s3 =	rddreg [dreg:$0x1];
	s26 =	simm.s32 $0x5;
	s8 =	simm.s32 $0x40  }
0x4: {  	s23 =	simm.s32 $0x80;
	s24 =	simm.s32 $0x100;
	s15 =	simm.s32 $0x2800  }
0x5: {  	s25 =	simm.s32 $0x180;
	s16 =	simm.s32 $0x4800;
	s17 =	simm.s32 $0x6800  }
0x6: {  	s30 =	simm.s32 $0x280;
	s12 =	simm.s32 $0xA800;
	s31 =	simm.s32 $0x300  }
0x7: {  	s13 =	simm.s32 $0xC800;
	s29 =	simm.s32 $0x380;
	s14 =	simm.s32 $0xE800  }
0x8: {  	s10 =	simm.s32 $0x1;
	s28 =	simm.s32 $0x580;
	p0 =	por $0x0, $0x0  }
0x9: {  	s9 =	simm.s32 $0x2;
	s6 =	simm.s32 $0x4;
	s19 =	simm.s32 $0x600  }
0xa: {  	s0 =	sand.u32 $0x1, s0;
	s2 =	sshll.u32 s2, $0x1;
	s7 =	sadd.s32 $0x2200, s1  }
0xb: {  	s4 =	sor.u32 s0, s2;
	s2 =	simm.s32 $0x0;
	s0 =	ssub.s32 $0x2, s0  }
0xc: {  	s5 =	sshll.u32 s4, $0x8;
	[smem:$0x7FF] =	sst s2;
	s4 =	sshll.u32 s4, $0xE  }
0xd: {  	s20 =	sshrl.u32 s0, $0x1;
	_ =	strace $0x80000047;
	[dreg:$0x7] =	wrdreg s23  }
0xe: {  	s5 =	sadd.s32 s5, s1;
	s11 =	sadd.s32 s3, s4;
	[dreg:$0x8] =	wrdreg s24  }
0xf: {  	s0 =	ssub.s32 s0, s20;
	s4 =	simm.s32 $0x800;
	[dreg:$0x9] =	wrdreg s25  }
0x10: {  	s23 =	simm.s32 $0x400;
	s5 =	sadd.s32 $0x200, s5;
	s0 =	smax.u32 s0, $0x1  }
0x11: {  	s3 =	sadd.s32 $0x1000, s11;
	[dreg:$0x3] =	wrdreg s5;
	p1 =	sne.s32 s0, $0x1  }
.Ltmp0:
0x12: {  	s21 =	sadd.s32 $0x2000, s11;
	[dreg:$0x4] =	wrdreg s3;
	(pc) =	sbr.rel @!p1 .LBB2_1-.Ltmp0, $4  }
0x13: {  	s24 =	simm.s32 $0x480;
	s22 =	sadd.s32 $0x3000, s11;
	[dreg:$0x5] =	wrdreg s21  }
0x14: {  	s25 =	simm.s32 $0x500;
	s20 =	simm.s32 $0x680;
	[dreg:$0x6] =	wrdreg s22  }
0x15: {  	s3 =	simm.s32 $0x8800;
	s5 =	simm.s32 $0x3;
	s18 =	sadd.s32 $0xFFFFFFFF, s0  }
0x16: {  	s21 =	simm.s32 $0x700;
	s22 =	simm.s32 $0x780;
	s0 =	rddreg [dreg:$0x3]  }
0x17: {  	[tilespmem:s2], [sflag:$0x5] =	stream.linear.gather [hbm4b:s0+s2], $0x800, $0x38;
	[tilespmem:$0x10800] =	vst v63  }
0x18: {  	_ =	swait.ge [sflag:s26], $0x800  }
0x19: {  	[sflag:s26] =	ssyncset.done $0x0  }
0x1a: {  	[sflag:s26] =	ssyncadd.s32 $0xFFFFF800  }
0x1b: {  	[tilespmem:s4], [sflag:$0x1] =	stream.indirect.gather [hbm4b:s7+s8], $0x80, s2, s8, $0xb8;
	[tilespmem:$0x10800] =	vst v63  }
0x1c: {  	s0 =	rddreg [dreg:$0x7]  }
0x1d: {  	[tilespmem:s15], [sflag:$0x1] =	stream.indirect.gather [hbm4b:s7+s8], $0x80, s0, s8, $0xb8;
	[tilespmem:$0x10800] =	vst v63  }
0x1e: {  	s1 =	rddreg [dreg:$0x8]  }
0x1f: {  	[tilespmem:s16], [sflag:$0x1] =	stream.indirect.gather [hbm4b:s7+s8], $0x80, s1, s8, $0xb8;
	[tilespmem:$0x10800] =	vst v63  }
0x20: {  	s0 =	rddreg [dreg:$0x9]  }
0x21: {  	[tilespmem:s17], [sflag:$0x1] =	stream.indirect.gather [hbm4b:s7+s8], $0x80, s0, s8, $0xb8;
	[tilespmem:$0x10800] =	vst v63  }
0x22: {  	s1 =	simm.s32 $0x200  }
0x23: {  	[tilespmem:s3], [sflag:$0x2] =	stream.indirect.gather [hbm4b:s7+s8], $0x80, s1, s8, $0xb8;
	[tilespmem:$0x10800] =	vst v63  }
0x24: {  	_ = 	snop  }
0x25: {  	[tilespmem:s12], [sflag:$0x2] =	stream.indirect.gather [hbm4b:s7+s8], $0x80, s30, s8, $0xb8;
	[tilespmem:$0x10800] =	vst v63  }
0x26: {  	_ = 	snop  }
0x27: {  	[tilespmem:s13], [sflag:$0x2] =	stream.indirect.gather [hbm4b:s7+s8], $0x80, s31, s8, $0xb8;
	[tilespmem:$0x10800] =	vst v63  }
0x28: {  	_ = 	snop  }
0x29: {  	[tilespmem:s14], [sflag:$0x2] =	stream.indirect.gather [hbm4b:s7+s8], $0x80, s29, s8, $0xb8;
	[tilespmem:$0x10800] =	vst v63  }
0x2a: {  	_ =	swait.ge [sflag:s10], $0x2000  }
0x2b: {  	[sflag:s10] =	ssyncset.done $0x0  }
0x2c: {  	[sflag:s10] =	ssyncadd.s32 $0xFFFFE000  }
0x2d: {  	_ =	swait.ge [sflag:s10], $0x2000  }
0x2e: {  	[sflag:s10] =	ssyncset.done $0x0  }
0x2f: {  	[sflag:s10] =	ssyncadd.s32 $0xFFFFE000  }
0x30: {  	_ =	swait.ge [sflag:s10], $0x2000  }
0x31: {  	[sflag:s10] =	ssyncset.done $0x0  }
0x32: {  	[sflag:s10] =	ssyncadd.s32 $0xFFFFE000  }
0x33: {  	_ =	swait.ge [sflag:s10], $0x2000  }
0x34: {  	[sflag:s10] =	ssyncset.done $0x0  }
0x35: {  	[sflag:s10] =	ssyncadd.s32 $0xFFFFE000  }
0x36: {  	[hbm4b:s11+s2] =	stream.linear.scatter [tilespmem:s4], [sflag:$0x3], $0x8000, $0x38;
	[tilespmem:$0x10800] =	vst v63  }
0x37: {  	_ =	swait.ge [sflag:s5], $0x8000  }
0x38: {  	[sflag:s5] =	ssyncset.done $0x0  }
0x39: {  	[sflag:s5] =	ssyncadd.s32 $0xFFFF8000  }
0x3a: {  	[tilespmem:s4], [sflag:$0x1] =	stream.indirect.gather [hbm4b:s7+s8], $0x80, s23, s8, $0xb8;
	[tilespmem:$0x10800] =	vst v63  }
0x3b: {  	_ = 	snop  }
0x3c: {  	[tilespmem:s15], [sflag:$0x1] =	stream.indirect.gather [hbm4b:s7+s8], $0x80, s24, s8, $0xb8;
	[tilespmem:$0x10800] =	vst v63  }
0x3d: {  	_ = 	snop  }
0x3e: {  	[tilespmem:s16], [sflag:$0x1] =	stream.indirect.gather [hbm4b:s7+s8], $0x80, s25, s8, $0xb8;
	[tilespmem:$0x10800] =	vst v63  }
0x3f: {  	_ = 	snop  }
0x40: {  	[tilespmem:s17], [sflag:$0x1] =	stream.indirect.gather [hbm4b:s7+s8], $0x80, s28, s8, $0xb8;
	[tilespmem:$0x10800] =	vst v63  }
0x41: {  	_ =	swait.ge [sflag:s9], $0x2000  }
0x42: {  	[sflag:s9] =	ssyncset.done $0x0  }
0x43: {  	[sflag:s9] =	ssyncadd.s32 $0xFFFFE000  }
0x44: {  	_ =	swait.ge [sflag:s9], $0x2000  }
0x45: {  	[sflag:s9] =	ssyncset.done $0x0  }
0x46: {  	[sflag:s9] =	ssyncadd.s32 $0xFFFFE000  }
0x47: {  	_ =	swait.ge [sflag:s9], $0x2000  }
0x48: {  	[sflag:s9] =	ssyncset.done $0x0  }
0x49: {  	[sflag:s9] =	ssyncadd.s32 $0xFFFFE000  }
0x4a: {  	_ =	swait.ge [sflag:s9], $0x2000  }
0x4b: {  	[sflag:s9] =	ssyncset.done $0x0  }
0x4c: {  	s1 =	rddreg [dreg:$0x4];
	[sflag:s9] =	ssyncadd.s32 $0xFFFFE000  }
0x4d: {  	[hbm4b:s1+s2] =	stream.linear.scatter [tilespmem:s3], [sflag:$0x4], $0x8000, $0x38;
	[tilespmem:$0x10800] =	vst v63  }
0x4e: {  	_ =	swait.ge [sflag:s6], $0x8000  }
0x4f: {  	[sflag:s6] =	ssyncset.done $0x0  }
0x50: {  	[sflag:s6] =	ssyncadd.s32 $0xFFFF8000  }
0x51: {  	[tilespmem:s3], [sflag:$0x2] =	stream.indirect.gather [hbm4b:s7+s8], $0x80, s19, s8, $0xb8;
	[tilespmem:$0x10800] =	vst v63  }
0x52: {  	_ = 	snop  }
0x53: {  	[tilespmem:s12], [sflag:$0x2] =	stream.indirect.gather [hbm4b:s7+s8], $0x80, s20, s8, $0xb8;
	[tilespmem:$0x10800] =	vst v63  }
0x54: {  	_ = 	snop  }
0x55: {  	[tilespmem:s13], [sflag:$0x2] =	stream.indirect.gather [hbm4b:s7+s8], $0x80, s21, s8, $0xb8;
	[tilespmem:$0x10800] =	vst v63  }
0x56: {  	_ = 	snop  }
0x57: {  	[tilespmem:s14], [sflag:$0x2] =	stream.indirect.gather [hbm4b:s7+s8], $0x80, s22, s8, $0xb8;
	[tilespmem:$0x10800] =	vst v63  }
0x58: {  	_ =	swait.ge [sflag:s10], $0x2000  }
0x59: {  	[sflag:s10] =	ssyncset.done $0x0  }
0x5a: {  	[sflag:s10] =	ssyncadd.s32 $0xFFFFE000  }
0x5b: {  	_ =	swait.ge [sflag:s10], $0x2000  }
0x5c: {  	[sflag:s10] =	ssyncset.done $0x0  }
0x5d: {  	[sflag:s10] =	ssyncadd.s32 $0xFFFFE000  }
0x5e: {  	_ =	swait.ge [sflag:s10], $0x2000  }
0x5f: {  	[sflag:s10] =	ssyncset.done $0x0  }
0x60: {  	[sflag:s10] =	ssyncadd.s32 $0xFFFFE000  }
0x61: {  	_ =	swait.ge [sflag:s10], $0x2000  }
0x62: {  	[sflag:s10] =	ssyncset.done $0x0  }
0x63: {  	s1 =	rddreg [dreg:$0x5];
	[sflag:s10] =	ssyncadd.s32 $0xFFFFE000  }
0x64: {  	[hbm4b:s1+s2] =	stream.linear.scatter [tilespmem:s4], [sflag:$0x3], $0x8000, $0x38;
	[tilespmem:$0x10800] =	vst v63  }
0x65: {  	_ =	swait.ge [sflag:s9], $0x2000  }
0x66: {  	[sflag:s9] =	ssyncset.done $0x0  }
0x67: {  	[sflag:s9] =	ssyncadd.s32 $0xFFFFE000  }
0x68: {  	_ =	swait.ge [sflag:s9], $0x2000  }
0x69: {  	[sflag:s9] =	ssyncset.done $0x0  }
0x6a: {  	[sflag:s9] =	ssyncadd.s32 $0xFFFFE000  }
0x6b: {  	_ =	swait.ge [sflag:s9], $0x2000  }
0x6c: {  	[sflag:s9] =	ssyncset.done $0x0  }
0x6d: {  	[sflag:s9] =	ssyncadd.s32 $0xFFFFE000  }
0x6e: {  	_ =	swait.ge [sflag:s9], $0x2000  }
0x6f: {  	[sflag:s9] =	ssyncset.done $0x0  }
0x70: {  	p1 =	sne.s32 s18, $0x1;
	s1 =	rddreg [dreg:$0x6];
	[sflag:s9] =	ssyncadd.s32 $0xFFFFE000  }
0x71: {  	[hbm4b:s1+s2] =	stream.linear.scatter [tilespmem:s3], [sflag:$0x4], $0x8000, $0x38;
	[tilespmem:$0x10800] =	vst v63  }
.Ltmp1:
0x72: {  	_ =	swait.ge [sflag:s5], $0x8000;
	(pc) =	sbr.rel @!p1 .LBB2_3-.Ltmp1, $4  }
0x73: {  	[sflag:s5] =	ssyncset.done $0x0  }
0x74: {  	[sflag:s5] =	ssyncadd.s32 $0xFFFF8000  }
0x75: {  	p0 =	por $0x1, $0x1;
	_ =	swait.ge [sflag:s6], $0x8000  }
0x76: {  	s1 =	sadd.s32 $0xFFFFFFFF, s18;
	s0 =	rddreg [dreg:$0x3];
	[sflag:s6] =	ssyncset.done $0x0  }
.LBB2_4:
0x77: {  	[sflag:s6] =	ssyncadd.s32 $0xFFFF8000  }
0x78: {  	[tilespmem:s2], [sflag:$0x5] =	stream.linear.gather [hbm4b:s0+s2], $0x800, $0x38;
	[tilespmem:$0x10800] =	vst v63  }
0x79: {  	_ =	swait.ge [sflag:s26], $0x800  }
0x7a: {  	[sflag:s26] =	ssyncset.done $0x0  }
0x7b: {  	[sflag:s26] =	ssyncadd.s32 $0xFFFFF800  }
0x7c: {  	[tilespmem:s4], [sflag:$0x1] =	stream.indirect.gather [hbm4b:s7+s8], $0x80, s2, s8, $0xb8;
	[tilespmem:$0x10800] =	vst v63  }
0x7d: {  	s0 =	rddreg [dreg:$0x7]  }
0x7e: {  	[tilespmem:s15], [sflag:$0x1] =	stream.indirect.gather [hbm4b:s7+s8], $0x80, s0, s8, $0xb8;
	[tilespmem:$0x10800] =	vst v63  }
0x7f: {  	s18 =	rddreg [dreg:$0x8]  }
0x80: {  	[tilespmem:s16], [sflag:$0x1] =	stream.indirect.gather [hbm4b:s7+s8], $0x80, s18, s8, $0xb8;
	[tilespmem:$0x10800] =	vst v63  }
0x81: {  	s0 =	rddreg [dreg:$0x9]  }
0x82: {  	[tilespmem:s17], [sflag:$0x1] =	stream.indirect.gather [hbm4b:s7+s8], $0x80, s0, s8, $0xb8;
	[tilespmem:$0x10800] =	vst v63  }
0x83: {  	s18 =	simm.s32 $0x200  }
0x84: {  	[tilespmem:s3], [sflag:$0x2] =	stream.indirect.gather [hbm4b:s7+s8], $0x80, s18, s8, $0xb8;
	[tilespmem:$0x10800] =	vst v63  }
0x85: {  	_ = 	snop  }
0x86: {  	[tilespmem:s12], [sflag:$0x2] =	stream.indirect.gather [hbm4b:s7+s8], $0x80, s30, s8, $0xb8;
	[tilespmem:$0x10800] =	vst v63  }
0x87: {  	_ = 	snop  }
0x88: {  	[tilespmem:s13], [sflag:$0x2] =	stream.indirect.gather [hbm4b:s7+s8], $0x80, s31, s8, $0xb8;
	[tilespmem:$0x10800] =	vst v63  }
0x89: {  	_ = 	snop  }
0x8a: {  	[tilespmem:s14], [sflag:$0x2] =	stream.indirect.gather [hbm4b:s7+s8], $0x80, s29, s8, $0xb8;
	[tilespmem:$0x10800] =	vst v63  }
0x8b: {  	_ =	swait.ge [sflag:s10], $0x2000  }
0x8c: {  	[sflag:s10] =	ssyncset.done $0x0  }
0x8d: {  	[sflag:s10] =	ssyncadd.s32 $0xFFFFE000  }
0x8e: {  	_ =	swait.ge [sflag:s10], $0x2000  }
0x8f: {  	[sflag:s10] =	ssyncset.done $0x0  }
0x90: {  	[sflag:s10] =	ssyncadd.s32 $0xFFFFE000  }
0x91: {  	_ =	swait.ge [sflag:s10], $0x2000  }
0x92: {  	[sflag:s10] =	ssyncset.done $0x0  }
0x93: {  	[sflag:s10] =	ssyncadd.s32 $0xFFFFE000  }
0x94: {  	_ =	swait.ge [sflag:s10], $0x2000  }
0x95: {  	[sflag:s10] =	ssyncset.done $0x0  }
0x96: {  	[sflag:s10] =	ssyncadd.s32 $0xFFFFE000  }
0x97: {  	[hbm4b:s11+s2] =	stream.linear.scatter [tilespmem:s4], [sflag:$0x3], $0x8000, $0x38;
	[tilespmem:$0x10800] =	vst v63  }
0x98: {  	_ =	swait.ge [sflag:s5], $0x8000  }
0x99: {  	[sflag:s5] =	ssyncset.done $0x0  }
0x9a: {  	[sflag:s5] =	ssyncadd.s32 $0xFFFF8000  }
0x9b: {  	[tilespmem:s4], [sflag:$0x1] =	stream.indirect.gather [hbm4b:s7+s8], $0x80, s23, s8, $0xb8;
	[tilespmem:$0x10800] =	vst v63  }
0x9c: {  	_ = 	snop  }
0x9d: {  	[tilespmem:s15], [sflag:$0x1] =	stream.indirect.gather [hbm4b:s7+s8], $0x80, s24, s8, $0xb8;
	[tilespmem:$0x10800] =	vst v63  }
0x9e: {  	_ = 	snop  }
0x9f: {  	[tilespmem:s16], [sflag:$0x1] =	stream.indirect.gather [hbm4b:s7+s8], $0x80, s25, s8, $0xb8;
	[tilespmem:$0x10800] =	vst v63  }
0xa0: {  	_ = 	snop  }
0xa1: {  	[tilespmem:s17], [sflag:$0x1] =	stream.indirect.gather [hbm4b:s7+s8], $0x80, s28, s8, $0xb8;
	[tilespmem:$0x10800] =	vst v63  }
0xa2: {  	_ =	swait.ge [sflag:s9], $0x2000  }
0xa3: {  	[sflag:s9] =	ssyncset.done $0x0  }
0xa4: {  	[sflag:s9] =	ssyncadd.s32 $0xFFFFE000  }
0xa5: {  	_ =	swait.ge [sflag:s9], $0x2000  }
0xa6: {  	[sflag:s9] =	ssyncset.done $0x0  }
0xa7: {  	[sflag:s9] =	ssyncadd.s32 $0xFFFFE000  }
0xa8: {  	_ =	swait.ge [sflag:s9], $0x2000  }
0xa9: {  	[sflag:s9] =	ssyncset.done $0x0  }
0xaa: {  	[sflag:s9] =	ssyncadd.s32 $0xFFFFE000  }
0xab: {  	_ =	swait.ge [sflag:s9], $0x2000  }
0xac: {  	[sflag:s9] =	ssyncset.done $0x0  }
0xad: {  	s18 =	rddreg [dreg:$0x4];
	[sflag:s9] =	ssyncadd.s32 $0xFFFFE000  }
0xae: {  	[hbm4b:s18+s2] =	stream.linear.scatter [tilespmem:s3], [sflag:$0x4], $0x8000, $0x38;
	[tilespmem:$0x10800] =	vst v63  }
0xaf: {  	_ =	swait.ge [sflag:s6], $0x8000  }
0xb0: {  	[sflag:s6] =	ssyncset.done $0x0  }
0xb1: {  	[sflag:s6] =	ssyncadd.s32 $0xFFFF8000  }
0xb2: {  	[tilespmem:s3], [sflag:$0x2] =	stream.indirect.gather [hbm4b:s7+s8], $0x80, s19, s8, $0xb8;
	[tilespmem:$0x10800] =	vst v63  }
0xb3: {  	_ = 	snop  }
0xb4: {  	[tilespmem:s12], [sflag:$0x2] =	stream.indirect.gather [hbm4b:s7+s8], $0x80, s20, s8, $0xb8;
	[tilespmem:$0x10800] =	vst v63  }
0xb5: {  	_ = 	snop  }
0xb6: {  	[tilespmem:s13], [sflag:$0x2] =	stream.indirect.gather [hbm4b:s7+s8], $0x80, s21, s8, $0xb8;
	[tilespmem:$0x10800] =	vst v63  }
0xb7: {  	_ = 	snop  }
0xb8: {  	[tilespmem:s14], [sflag:$0x2] =	stream.indirect.gather [hbm4b:s7+s8], $0x80, s22, s8, $0xb8;
	[tilespmem:$0x10800] =	vst v63  }
0xb9: {  	_ =	swait.ge [sflag:s10], $0x2000  }
0xba: {  	[sflag:s10] =	ssyncset.done $0x0  }
0xbb: {  	[sflag:s10] =	ssyncadd.s32 $0xFFFFE000  }
0xbc: {  	_ =	swait.ge [sflag:s10], $0x2000  }
0xbd: {  	[sflag:s10] =	ssyncset.done $0x0  }
0xbe: {  	[sflag:s10] =	ssyncadd.s32 $0xFFFFE000  }
0xbf: {  	_ =	swait.ge [sflag:s10], $0x2000  }
0xc0: {  	[sflag:s10] =	ssyncset.done $0x0  }
0xc1: {  	[sflag:s10] =	ssyncadd.s32 $0xFFFFE000  }
0xc2: {  	_ =	swait.ge [sflag:s10], $0x2000  }
0xc3: {  	[sflag:s10] =	ssyncset.done $0x0  }
0xc4: {  	s18 =	rddreg [dreg:$0x5];
	[sflag:s10] =	ssyncadd.s32 $0xFFFFE000  }
0xc5: {  	[hbm4b:s18+s2] =	stream.linear.scatter [tilespmem:s4], [sflag:$0x3], $0x8000, $0x38;
	[tilespmem:$0x10800] =	vst v63  }
0xc6: {  	_ =	swait.ge [sflag:s9], $0x2000  }
0xc7: {  	[sflag:s9] =	ssyncset.done $0x0  }
0xc8: {  	[sflag:s9] =	ssyncadd.s32 $0xFFFFE000  }
0xc9: {  	_ =	swait.ge [sflag:s9], $0x2000  }
0xca: {  	[sflag:s9] =	ssyncset.done $0x0  }
0xcb: {  	[sflag:s9] =	ssyncadd.s32 $0xFFFFE000  }
0xcc: {  	_ =	swait.ge [sflag:s9], $0x2000  }
0xcd: {  	[sflag:s9] =	ssyncset.done $0x0  }
0xce: {  	[sflag:s9] =	ssyncadd.s32 $0xFFFFE000  }
0xcf: {  	_ =	swait.ge [sflag:s9], $0x2000  }
0xd0: {  	[sflag:s9] =	ssyncset.done $0x0  }
0xd1: {  	p1 =	sne.s32 s1, $0x1;
	s18 =	rddreg [dreg:$0x6];
	[sflag:s9] =	ssyncadd.s32 $0xFFFFE000  }
0xd2: {  	[hbm4b:s18+s2] =	stream.linear.scatter [tilespmem:s3], [sflag:$0x4], $0x8000, $0x38;
	[tilespmem:$0x10800] =	vst v63  }
.Ltmp2:
0xd3: {  	_ =	swait.ge [sflag:s5], $0x8000;
	(pc) =	sbr.rel @p1 .LBB2_4-.Ltmp2, $4  }
0xd4: {  	[sflag:s5] =	ssyncset.done $0x0  }
0xd5: {  	[sflag:s5] =	ssyncadd.s32 $0xFFFF8000  }
0xd6: {  	_ =	swait.ge [sflag:s6], $0x8000  }
0xd7: {  	s1 =	sadd.s32 $0xFFFFFFFF, s1;
	s0 =	rddreg [dreg:$0x3];
	[sflag:s6] =	ssyncset.done $0x0  }
0xd8: {  	s18 =	simm.s32 $0x380;
	s31 =	simm.s32 $0x300;
	s30 =	simm.s32 $0x280  }
0xd9: {  	s29 =	simm.s32 $0x200;
	s28 =	simm.s32 $0x580;
	s25 =	simm.s32 $0x500  }
0xda: {  	s24 =	simm.s32 $0x480;
	s23 =	simm.s32 $0x400;
	s22 =	simm.s32 $0x780  }
0xdb: {  	s21 =	simm.s32 $0x700;
	s20 =	simm.s32 $0x680;
	s19 =	simm.s32 $0x600  }
.LBB2_6:
0xdc: {  	[sflag:s6] =	ssyncadd.s32 @p0 $0xFFFF8000  }
0xdd: {  	[tilespmem:s2], [sflag:$0x5] =	stream.linear.gather [hbm4b:s0+s2], $0x800, $0x38;
	[tilespmem:$0x10800] =	vst v63  }
0xde: {  	_ =	swait.ge [sflag:s26], $0x800  }
0xdf: {  	[sflag:s26] =	ssyncset.done $0x0  }
0xe0: {  	[sflag:s26] =	ssyncadd.s32 $0xFFFFF800  }
0xe1: {  	[tilespmem:s4], [sflag:$0x1] =	stream.indirect.gather [hbm4b:s7+s8], $0x80, s2, s8, $0xb8;
	[tilespmem:$0x10800] =	vst v63  }
0xe2: {  	s26 =	rddreg [dreg:$0x7]  }
0xe3: {  	[tilespmem:s15], [sflag:$0x1] =	stream.indirect.gather [hbm4b:s7+s8], $0x80, s26, s8, $0xb8;
	[tilespmem:$0x10800] =	vst v63  }
0xe4: {  	s1 =	rddreg [dreg:$0x8]  }
0xe5: {  	[tilespmem:s16], [sflag:$0x1] =	stream.indirect.gather [hbm4b:s7+s8], $0x80, s1, s8, $0xb8;
	[tilespmem:$0x10800] =	vst v63  }
0xe6: {  	s26 =	rddreg [dreg:$0x9]  }
0xe7: {  	[tilespmem:s17], [sflag:$0x1] =	stream.indirect.gather [hbm4b:s7+s8], $0x80, s26, s8, $0xb8;
	[tilespmem:$0x10800] =	vst v63  }
0xe8: {  	_ = 	snop  }
0xe9: {  	[tilespmem:s3], [sflag:$0x2] =	stream.indirect.gather [hbm4b:s7+s8], $0x80, s29, s8, $0xb8;
	[tilespmem:$0x10800] =	vst v63  }
0xea: {  	_ = 	snop  }
0xeb: {  	[tilespmem:s12], [sflag:$0x2] =	stream.indirect.gather [hbm4b:s7+s8], $0x80, s30, s8, $0xb8;
	[tilespmem:$0x10800] =	vst v63  }
0xec: {  	_ = 	snop  }
0xed: {  	[tilespmem:s13], [sflag:$0x2] =	stream.indirect.gather [hbm4b:s7+s8], $0x80, s31, s8, $0xb8;
	[tilespmem:$0x10800] =	vst v63  }
0xee: {  	_ = 	snop  }
0xef: {  	[tilespmem:s14], [sflag:$0x2] =	stream.indirect.gather [hbm4b:s7+s8], $0x80, s18, s8, $0xb8;
	[tilespmem:$0x10800] =	vst v63  }
0xf0: {  	_ =	swait.ge [sflag:s10], $0x2000  }
0xf1: {  	[sflag:s10] =	ssyncset.done $0x0  }
0xf2: {  	[sflag:s10] =	ssyncadd.s32 $0xFFFFE000  }
0xf3: {  	_ =	swait.ge [sflag:s10], $0x2000  }
0xf4: {  	[sflag:s10] =	ssyncset.done $0x0  }
0xf5: {  	[sflag:s10] =	ssyncadd.s32 $0xFFFFE000  }
0xf6: {  	_ =	swait.ge [sflag:s10], $0x2000  }
0xf7: {  	[sflag:s10] =	ssyncset.done $0x0  }
0xf8: {  	[sflag:s10] =	ssyncadd.s32 $0xFFFFE000  }
0xf9: {  	_ =	swait.ge [sflag:s10], $0x2000  }
0xfa: {  	[sflag:s10] =	ssyncset.done $0x0  }
0xfb: {  	[sflag:s10] =	ssyncadd.s32 $0xFFFFE000  }
0xfc: {  	[hbm4b:s11+s2] =	stream.linear.scatter [tilespmem:s4], [sflag:$0x3], $0x8000, $0x38;
	[tilespmem:$0x10800] =	vst v63  }
0xfd: {  	_ =	swait.ge [sflag:s5], $0x8000  }
0xfe: {  	[sflag:s5] =	ssyncset.done $0x0  }
0xff: {  	[sflag:s5] =	ssyncadd.s32 $0xFFFF8000  }
0x100: {  	[tilespmem:s4], [sflag:$0x1] =	stream.indirect.gather [hbm4b:s7+s8], $0x80, s23, s8, $0xb8;
	[tilespmem:$0x10800] =	vst v63  }
0x101: {  	_ = 	snop  }
0x102: {  	[tilespmem:s15], [sflag:$0x1] =	stream.indirect.gather [hbm4b:s7+s8], $0x80, s24, s8, $0xb8;
	[tilespmem:$0x10800] =	vst v63  }
0x103: {  	_ = 	snop  }
0x104: {  	[tilespmem:s16], [sflag:$0x1] =	stream.indirect.gather [hbm4b:s7+s8], $0x80, s25, s8, $0xb8;
	[tilespmem:$0x10800] =	vst v63  }
0x105: {  	_ = 	snop  }
0x106: {  	[tilespmem:s17], [sflag:$0x1] =	stream.indirect.gather [hbm4b:s7+s8], $0x80, s28, s8, $0xb8;
	[tilespmem:$0x10800] =	vst v63  }
0x107: {  	_ =	swait.ge [sflag:s9], $0x2000  }
0x108: {  	[sflag:s9] =	ssyncset.done $0x0  }
0x109: {  	[sflag:s9] =	ssyncadd.s32 $0xFFFFE000  }
0x10a: {  	_ =	swait.ge [sflag:s9], $0x2000  }
0x10b: {  	[sflag:s9] =	ssyncset.done $0x0  }
0x10c: {  	[sflag:s9] =	ssyncadd.s32 $0xFFFFE000  }
0x10d: {  	_ =	swait.ge [sflag:s9], $0x2000  }
0x10e: {  	[sflag:s9] =	ssyncset.done $0x0  }
0x10f: {  	[sflag:s9] =	ssyncadd.s32 $0xFFFFE000  }
0x110: {  	_ =	swait.ge [sflag:s9], $0x2000  }
0x111: {  	[sflag:s9] =	ssyncset.done $0x0  }
0x112: {  	s28 =	rddreg [dreg:$0x4];
	[sflag:s9] =	ssyncadd.s32 $0xFFFFE000  }
0x113: {  	[hbm4b:s28+s2] =	stream.linear.scatter [tilespmem:s3], [sflag:$0x4], $0x8000, $0x38;
	[tilespmem:$0x10800] =	vst v63  }
0x114: {  	_ =	swait.ge [sflag:s6], $0x8000  }
0x115: {  	[sflag:s6] =	ssyncset.done $0x0  }
0x116: {  	[sflag:s6] =	ssyncadd.s32 $0xFFFF8000  }
0x117: {  	[tilespmem:s3], [sflag:$0x2] =	stream.indirect.gather [hbm4b:s7+s8], $0x80, s19, s8, $0xb8;
	[tilespmem:$0x10800] =	vst v63  }
0x118: {  	_ = 	snop  }
0x119: {  	[tilespmem:s12], [sflag:$0x2] =	stream.indirect.gather [hbm4b:s7+s8], $0x80, s20, s8, $0xb8;
	[tilespmem:$0x10800] =	vst v63  }
0x11a: {  	_ = 	snop  }
0x11b: {  	[tilespmem:s13], [sflag:$0x2] =	stream.indirect.gather [hbm4b:s7+s8], $0x80, s21, s8, $0xb8;
	[tilespmem:$0x10800] =	vst v63  }
0x11c: {  	_ = 	snop  }
0x11d: {  	[tilespmem:s14], [sflag:$0x2] =	stream.indirect.gather [hbm4b:s7+s8], $0x80, s22, s8, $0xb8;
	[tilespmem:$0x10800] =	vst v63  }
0x11e: {  	_ =	swait.ge [sflag:s10], $0x2000  }
0x11f: {  	[sflag:s10] =	ssyncset.done $0x0  }
0x120: {  	[sflag:s10] =	ssyncadd.s32 $0xFFFFE000  }
0x121: {  	_ =	swait.ge [sflag:s10], $0x2000  }
0x122: {  	[sflag:s10] =	ssyncset.done $0x0  }
0x123: {  	[sflag:s10] =	ssyncadd.s32 $0xFFFFE000  }
0x124: {  	_ =	swait.ge [sflag:s10], $0x2000  }
0x125: {  	[sflag:s10] =	ssyncset.done $0x0  }
0x126: {  	[sflag:s10] =	ssyncadd.s32 $0xFFFFE000  }
0x127: {  	_ =	swait.ge [sflag:s10], $0x2000  }
0x128: {  	[sflag:s10] =	ssyncset.done $0x0  }
0x129: {  	s29 =	rddreg [dreg:$0x5];
	[sflag:s10] =	ssyncadd.s32 $0xFFFFE000  }
0x12a: {  	[hbm4b:s29+s2] =	stream.linear.scatter [tilespmem:s4], [sflag:$0x3], $0x8000, $0x38;
	[tilespmem:$0x10800] =	vst v63  }
0x12b: {  	_ =	swait.ge [sflag:s9], $0x2000  }
0x12c: {  	[sflag:s9] =	ssyncset.done $0x0  }
0x12d: {  	[sflag:s9] =	ssyncadd.s32 $0xFFFFE000  }
0x12e: {  	_ =	swait.ge [sflag:s9], $0x2000  }
0x12f: {  	[sflag:s9] =	ssyncset.done $0x0  }
0x130: {  	[sflag:s9] =	ssyncadd.s32 $0xFFFFE000  }
0x131: {  	_ =	swait.ge [sflag:s9], $0x2000  }
0x132: {  	[sflag:s9] =	ssyncset.done $0x0  }
0x133: {  	[sflag:s9] =	ssyncadd.s32 $0xFFFFE000  }
0x134: {  	_ =	swait.ge [sflag:s9], $0x2000  }
0x135: {  	[sflag:s9] =	ssyncset.done $0x0  }
0x136: {  	s30 =	rddreg [dreg:$0x6];
	[sflag:s9] =	ssyncadd.s32 $0xFFFFE000  }
0x137: {  	[hbm4b:s30+s2] =	stream.linear.scatter [tilespmem:s3], [sflag:$0x4], $0x8000, $0x38;
	[tilespmem:$0x10800] =	vst v63  }
0x138: {  	_ =	swait.ge [sflag:s5], $0x8000  }
0x139: {  	[sflag:s5] =	ssyncset.done $0x0  }
0x13a: {  	[sflag:s5] =	ssyncadd.s32 $0xFFFF8000  }
0x13b: {  	_ =	swait.ge [sflag:s6], $0x8000  }
0x13c: {  	[sflag:s6] =	ssyncset.done $0x0  }
0x13d: {  	[sflag:s6] =	ssyncadd.s32 $0xFFFF8000  }
0x13e: {  	_ =	sfence.sel $0x180000  }
0x13f: {  	[bflag:$0x0] =	sbarrier.arrive $0xFFFF  }
0x140: {  	_ =	strace $0x90000047  }
0x141: {  	s31 =	stileid.u32;
	[bflag:$0x2] =	sbarrier.arrive $0xFFFF  }
0x142: {  	p0 =	sne.s32 s31, $0x0;
	s0 =	rddreg [dreg:$0x2]  }
0x143: {  	s0 =	sadd.s32 @!p0 $0x100000, s0  }
0x144: {  	[sflag:s0] =	ssyncadd.tile.s32 @!p0 $0x1;
	_ =	shalt  }
.LBB2_1:
.Ltmp3:
0x145: {  	(pc) =	sbr.rel .LBB2_6-.Ltmp3, $4  }
0x146: {  	s18 =	simm.s32 $0x380;
	s31 =	simm.s32 $0x300;
	s30 =	simm.s32 $0x280  }
0x147: {  	s29 =	simm.s32 $0x200;
	s28 =	simm.s32 $0x580;
	s25 =	simm.s32 $0x500  }
0x148: {  	s24 =	simm.s32 $0x480;
	s23 =	simm.s32 $0x400;
	s22 =	simm.s32 $0x780  }
0x149: {  	s21 =	simm.s32 $0x700;
	s20 =	simm.s32 $0x680;
	s19 =	simm.s32 $0x600  }
.LBB2_3:
.Ltmp4:
0x14a: {  	(pc) =	sbr.rel .LBB2_6-.Ltmp4, $4  }
0x14b: {  	s18 =	simm.s32 $0x380;
	s31 =	simm.s32 $0x300;
	s30 =	simm.s32 $0x280  }
0x14c: {  	s29 =	simm.s32 $0x200;
	s28 =	simm.s32 $0x580;
	s25 =	simm.s32 $0x500  }
0x14d: {  	s24 =	simm.s32 $0x480;
	s23 =	simm.s32 $0x400;
	s22 =	simm.s32 $0x780  }
0x14e: {  	s21 =	simm.s32 $0x700;
	s20 =	simm.s32 $0x680;
	s19 =	simm.s32 $0x600  }
.Lfunc_end2:
_tile_overlayer_lowered:
.L_overlay_start_2:
0x14f: {  	(tag) =	ssettag $0x2  }
0x150: {  	s0 =	rddreg [dreg:$0x0];
	s2 =	stileid.u32  }
0x151: {  	s1 =	rddreg [dreg:$0x1];
	p0 =	sne.s32 s2, $0x0  }
0x152: {  	s3 =	rddreg [dreg:$0x2];
	[bflag:$0x3] =	sbarrier.arrive $0xFFFF;
	s2 =	simm.s32 @!p0 $0x1C05  }
0x153: {  	[timem:s3], [sflag:s2] =	dma.local @!p0 [hbm:s0], s1  }
0x154: {  	s0 =	simm.s32 @!p0 $0x5  }
0x155: {  	_ =	swait.ge @!p0 [sflag:s0], s1  }
0x156: {  	s1 =	ssub.s32 @!p0 $0x0, s1;
	[sflag:s0] =	ssyncset.done @!p0 $0x0  }
0x157: {  	[sflag:s0] =	ssyncadd.s32 @!p0 s1  }
0x158: {  	[bflag:$0x3] =	sbarrier.arrive $0xFFFF  }
0x159: {  	_ =	shalt  }

</sc_bundles>
